<compile_context>
chip_gen: v7x
topology: tpu7x:2x2x1
jax: 0.10.2.dev20260603
libtpu: 0.0.44.dev20260713+nightly
codegen_flags: <defaults>
</compile_context>

<pallas_src>
import jax
import jax.numpy as jnp
from jax.experimental import pallas as pl
from jax.experimental.pallas import tpu as pltpu
from jax.experimental.pallas import tpu_sc as plsc

NROWS, NCOLS = 250, 400
N = NROWS * NCOLS
VPR = NCOLS // 16
ROWS_PER_TILE = 8
WROWS = 10
R0_MAX = NROWS - ROWS_PER_TILE
WSTART_MAX = NROWS - WROWS


def _sc_body(v_hbm, o_hbm, buf, obuf, sem):
    t = jax.lax.axis_index("c") * 16 + jax.lax.axis_index("s")
    r0 = jnp.minimum(t * ROWS_PER_TILE, R0_MAX)
    wstart = jnp.minimum(jnp.maximum(r0 - 1, 0), WSTART_MAX)

    pltpu.async_copy(
        v_hbm.at[pl.ds(wstart * NCOLS, WROWS * NCOLS)],
        buf.at[pl.ds(NCOLS, WROWS * NCOLS)],
        sem,
    ).wait()

    for c in range(VPR):
        buf[pl.ds(c * 16, 16)] = buf[pl.ds(NCOLS + c * 16, 16)]
        buf[pl.ds((WROWS + 1) * NCOLS + c * 16, 16)] = \
            buf[pl.ds(WROWS * NCOLS + c * 16, 16)]

    @pl.loop(0, ROWS_PER_TILE)
    def _(k):
        i = r0 + k
        base = (i - wstart) * NCOLS + NCOLS
        for c in range(VPR):
            off = base + c * 16
            vc = buf[pl.ds(off, 16)]
            obuf[pl.ds(k * NCOLS + c * 16, 16)] = vc

    @pl.when(t < 31)
    def _():
        pltpu.async_copy(
            obuf.at[pl.ds(0, ROWS_PER_TILE * NCOLS)],
            o_hbm.at[pl.ds(r0 * NCOLS, ROWS_PER_TILE * NCOLS)],
            sem,
        ).wait()

    @pl.when(t == 31)
    def _():
        pltpu.async_copy(
            obuf.at[pl.ds(6 * NCOLS, 2 * NCOLS)],
            o_hbm.at[pl.ds((NROWS - 2) * NCOLS, 2 * NCOLS)],
            sem,
        ).wait()


def kernel(value, length_of_link, area_at_node, node_at_link_head,
           node_at_link_tail, links_at_node, link_dirs_at_node):
    sc_call = pl.kernel(
        _sc_body,
        out_type=jax.ShapeDtypeStruct((N,), jnp.float32),
        mesh=plsc.VectorSubcoreMesh(core_axis_name="c", subcore_axis_name="s"),
        scratch_types=[
            pltpu.VMEM(((WROWS + 2) * NCOLS,), jnp.float32),
            pltpu.VMEM((ROWS_PER_TILE * NCOLS,), jnp.float32),
            pltpu.SemaphoreType.DMA,
        ],
    )
    return sc_call(value)

# --- scband reference (transcript-rebuilt; emitter-appended) ---
"""Pipeline reference for scband-static-graph-8899172237898 (READ-ONLY COPY).

The authoritative reference and input builder live on the scoring server;
editing this copy changes nothing except your own understanding.
"""

import jax, jax.numpy as jnp
import numpy as np

NROWS, NCOLS = 250, 400
N = NROWS * NCOLS


def _build_raster_topology():
    ids = np.arange(N, dtype=np.int64).reshape(NROWS, NCOLS)
    # horizontal links (tail=west node, head=east node)
    h_tail = ids[:, :-1].ravel()
    h_head = ids[:, 1:].ravel()
    # vertical links (tail=south node, head=north node)
    v_tail = ids[:-1, :].ravel()
    v_head = ids[1:, :].ravel()
    tail = np.concatenate([h_tail, v_tail])
    head = np.concatenate([h_head, v_head])
    E = tail.size  # 199350
    nH = NROWS * (NCOLS - 1)
    hid = np.arange(nH, dtype=np.int64).reshape(NROWS, NCOLS - 1)
    vid = nH + np.arange((NROWS - 1) * NCOLS, dtype=np.int64).reshape(NROWS - 1, NCOLS)
    links = np.zeros((NROWS, NCOLS, 4), dtype=np.int64)
    dirs = np.zeros((NROWS, NCOLS, 4), dtype=np.int32)
    # slot 0: east link (node is tail -> dir -1)
    links[:, :-1, 0] = hid; dirs[:, :-1, 0] = -1
    # slot 1: north link (node is tail -> dir -1)
    links[:-1, :, 1] = vid; dirs[:-1, :, 1] = -1
    # slot 2: west link (node is head -> dir +1)
    links[:, 1:, 2] = hid; dirs[:, 1:, 2] = 1
    # slot 3: south link (node is head -> dir +1)
    links[1:, :, 3] = vid; dirs[1:, :, 3] = 1
    return head, tail, links.reshape(N, 4), dirs.reshape(N, 4), E


def setup_inputs(seed: int = 0) -> dict:
    key = jax.random.key(seed)
    head, tail, links_at_node, link_dirs_at_node, E = _build_raster_topology()
    value = jax.random.normal(jax.random.fold_in(key, 0), (N,), dtype=jnp.float32)
    length_of_link = jnp.ones((E,), dtype=jnp.float32)
    area_at_node = jnp.ones((N,), dtype=jnp.float32)
    return {
        "value": value,
        "length_of_link": length_of_link,
        "area_at_node": area_at_node,
        "node_at_link_head": jnp.asarray(head),
        "node_at_link_tail": jnp.asarray(tail),
        "links_at_node": jnp.asarray(links_at_node),
        "link_dirs_at_node": jnp.asarray(link_dirs_at_node),
    }


def reference(value, length_of_link, area_at_node, node_at_link_head, node_at_link_tail, links_at_node, link_dirs_at_node):
    # StaticGraph.calc_grad_at_link
    grad_at_link = jnp.divide(value[node_at_link_head] - value[node_at_link_tail], length_of_link)
    # StaticGraph.sum_at_nodes
    flux_sum = jnp.sum(link_dirs_at_node.astype(grad_at_link.dtype) * grad_at_link[links_at_node], axis=1)
    # StaticGraph.calc_div_at_node
    div_at_node = jnp.divide(flux_sum, area_at_node)
    return div_at_node

if __name__ == "__main__":
    import jax
    _d = setup_inputs()
    print(jax.jit(kernel)(*tuple(_d.values())))

</pallas_src>

<mosaic_0001>
#map = affine_map<(d0, d1) -> (0)>
module attributes {stable_mosaic.version = 14 : i64} {
  func.func @_sc_body(%arg0: i32, %arg1: i32, %arg2: memref<100000xf32, #tpu.memory_space<hbm>>, %arg3: memref<100000xf32, #tpu.memory_space<hbm>>, %arg4: memref<4800xf32, #tpu.memory_space<vmem>>, %arg5: memref<3200xf32, #tpu.memory_space<vmem>>, %arg6: memref<!tpu.dma_semaphore, #tpu.memory_space<semaphore_mem>>) attributes {dimension_semantics = [#tpu.dimension_semantics<core_parallel>, #tpu.dimension_semantics<subcore_parallel>], iteration_bounds = array<i64: 2, 16>, scalar_prefetch = 0 : i64, scratch_operands = 3 : i64, tpu.core_type = #tpu.core_type<sc_vector_subcore>, window_params = [{transform_indices = #map}, {transform_indices = #map}]} {
    %mul3A = arith.constant 16 : i32
    %mul3A_0 = arith.muli %arg0, %mul3A : i32
    %add3A = arith.addi %mul3A_0, %arg1 : i32
    %mul3A_1 = arith.constant 8 : i32
    %mul3A_2 = arith.muli %add3A, %mul3A_1 : i32
    %min3A = arith.constant 242 : i32
    %min3A_3 = arith.minsi %mul3A_2, %min3A : i32
    %sub3A = arith.constant 1 : i32
    %sub3A_4 = arith.subi %min3A_3, %sub3A : i32
    %max3A = arith.constant 0 : i32
    %max3A_5 = arith.maxsi %sub3A_4, %max3A : i32
    %min3A_6 = arith.constant 240 : i32
    %min3A_7 = arith.minsi %max3A_5, %min3A_6 : i32
    %mul3A_8 = arith.constant 400 : i32
    %mul3A_9 = arith.muli %min3A_7, %mul3A_8 : i32
    %dma_start3A = arith.constant 400 : i32
    %dma_start3A_10 = tpu.memref_slice %arg4[%dma_start3A] : memref<4800xf32, #tpu.memory_space<vmem>> -> memref<4000xf32, #tpu.memory_space<vmem>>
    %dma_start3A_11 = tpu.memref_slice %arg2[%mul3A_9] : memref<100000xf32, #tpu.memory_space<hbm>> -> memref<4000xf32, #tpu.memory_space<hbm>>
    %dma_start3A_12 = arith.constant 400 : i32
    %dma_start3A_13 = tpu.memref_slice %arg4[%dma_start3A_12] : memref<4800xf32, #tpu.memory_space<vmem>> -> memref<4000xf32, #tpu.memory_space<vmem>>
    %dma_start3A_14 = tpu.memref_slice %arg2[%mul3A_9] : memref<100000xf32, #tpu.memory_space<hbm>> -> memref<4000xf32, #tpu.memory_space<hbm>>
    tpu.enqueue_dma source(%dma_start3A_14 : memref<4000xf32, #tpu.memory_space<hbm>>) target(%dma_start3A_13 : memref<4000xf32, #tpu.memory_space<vmem>>) target_semaphore(%arg6 : memref<!tpu.dma_semaphore, #tpu.memory_space<semaphore_mem>>)
    %dma_wait3A = arith.constant 400 : i32
    %dma_wait3A_15 = tpu.memref_slice %arg4[%dma_wait3A] : memref<4800xf32, #tpu.memory_space<vmem>> -> memref<4000xf32, #tpu.memory_space<vmem>>
    %dma_wait3A_16 = tpu.memref_slice %arg2[%mul3A_9] : memref<100000xf32, #tpu.memory_space<hbm>> -> memref<4000xf32, #tpu.memory_space<hbm>>
    %dma_wait3A_17 = arith.constant 400 : i32
    %dma_wait3A_18 = tpu.memref_slice %arg4[%dma_wait3A_17] : memref<4800xf32, #tpu.memory_space<vmem>> -> memref<4000xf32, #tpu.memory_space<vmem>>
    %dma_wait3A_19 = tpu.memref_slice %arg2[%mul3A_9] : memref<100000xf32, #tpu.memory_space<hbm>> -> memref<4000xf32, #tpu.memory_space<hbm>>
    tpu.wait_dma2 semaphore(%arg6 : memref<!tpu.dma_semaphore, #tpu.memory_space<semaphore_mem>>) src(%dma_wait3A_19 : memref<4000xf32, #tpu.memory_space<hbm>>) dst(%dma_wait3A_18 : memref<4000xf32, #tpu.memory_space<vmem>>)
    %get3A = arith.constant 400 : index
    %get3A_20 = tpu.vector_load %arg4[%get3A] {strides = array<i32>} : memref<4800xf32, #tpu.memory_space<vmem>>, vector<16xf32>,
    %get3A_21 = vector.shape_cast %get3A_20 : vector<16xf32> to vector<16xf32>
    %swap3A = arith.constant 0 : index
    %swap3A_22 = tpu.vector_load %arg4[%swap3A] {strides = array<i32>} : memref<4800xf32, #tpu.memory_space<vmem>>, vector<16xf32>,
    %swap3A_23 = vector.shape_cast %swap3A_22 : vector<16xf32> to vector<16xf32>
    %swap3A_24 = vector.shape_cast %get3A_21 : vector<16xf32> to vector<16xf32>
    tpu.vector_store %arg4[%swap3A], %swap3A_24 {strides = array<i32>} : memref<4800xf32, #tpu.memory_space<vmem>>, vector<16xf32>,
    %get3A_25 = arith.constant 4000 : index
    %get3A_26 = tpu.vector_load %arg4[%get3A_25] {strides = array<i32>} : memref<4800xf32, #tpu.memory_space<vmem>>, vector<16xf32>,
    %get3A_27 = vector.shape_cast %get3A_26 : vector<16xf32> to vector<16xf32>
    %swap3A_28 = arith.constant 4400 : index
    %swap3A_29 = tpu.vector_load %arg4[%swap3A_28] {strides = array<i32>} : memref<4800xf32, #tpu.memory_space<vmem>>, vector<16xf32>,
    %swap3A_30 = vector.shape_cast %swap3A_29 : vector<16xf32> to vector<16xf32>
    %swap3A_31 = vector.shape_cast %get3A_27 : vector<16xf32> to vector<16xf32>
    tpu.vector_store %arg4[%swap3A_28], %swap3A_31 {strides = array<i32>} : memref<4800xf32, #tpu.memory_space<vmem>>, vector<16xf32>,
    %get3A_32 = arith.constant 416 : index
    %get3A_33 = tpu.vector_load %arg4[%get3A_32] {strides = array<i32>} : memref<4800xf32, #tpu.memory_space<vmem>>, vector<16xf32>,
    %get3A_34 = vector.shape_cast %get3A_33 : vector<16xf32> to vector<16xf32>
    %swap3A_35 = arith.constant 16 : index
    %swap3A_36 = tpu.vector_load %arg4[%swap3A_35] {strides = array<i32>} : memref<4800xf32, #tpu.memory_space<vmem>>, vector<16xf32>,
    %swap3A_37 = vector.shape_cast %swap3A_36 : vector<16xf32> to vector<16xf32>
    %swap3A_38 = vector.shape_cast %get3A_34 : vector<16xf32> to vector<16xf32>
    tpu.vector_store %arg4[%swap3A_35], %swap3A_38 {strides = array<i32>} : memref<4800xf32, #tpu.memory_space<vmem>>, vector<16xf32>,
    %get3A_39 = arith.constant 4016 : index
    %get3A_40 = tpu.vector_load %arg4[%get3A_39] {strides = array<i32>} : memref<4800xf32, #tpu.memory_space<vmem>>, vector<16xf32>,
    %get3A_41 = vector.shape_cast %get3A_40 : vector<16xf32> to vector<16xf32>
    %swap3A_42 = arith.constant 4416 : index
    %swap3A_43 = tpu.vector_load %arg4[%swap3A_42] {strides = array<i32>} : memref<4800xf32, #tpu.memory_space<vmem>>, vector<16xf32>,
    %swap3A_44 = vector.shape_cast %swap3A_43 : vector<16xf32> to vector<16xf32>
    %swap3A_45 = vector.shape_cast %get3A_41 : vector<16xf32> to vector<16xf32>
    tpu.vector_store %arg4[%swap3A_42], %swap3A_45 {strides = array<i32>} : memref<4800xf32, #tpu.memory_space<vmem>>, vector<16xf32>,
    %get3A_46 = arith.constant 432 : index
    %get3A_47 = tpu.vector_load %arg4[%get3A_46] {strides = array<i32>} : memref<4800xf32, #tpu.memory_space<vmem>>, vector<16xf32>,
    %get3A_48 = vector.shape_cast %get3A_47 : vector<16xf32> to vector<16xf32>
    %swap3A_49 = arith.constant 32 : index
    %swap3A_50 = tpu.vector_load %arg4[%swap3A_49] {strides = array<i32>} : memref<4800xf32, #tpu.memory_space<vmem>>, vector<16xf32>,
    %swap3A_51 = vector.shape_cast %swap3A_50 : vector<16xf32> to vector<16xf32>
    %swap3A_52 = vector.shape_cast %get3A_48 : vector<16xf32> to vector<16xf32>
    tpu.vector_store %arg4[%swap3A_49], %swap3A_52 {strides = array<i32>} : memref<4800xf32, #tpu.memory_space<vmem>>, vector<16xf32>,
    %get3A_53 = arith.constant 4032 : index
    %get3A_54 = tpu.vector_load %arg4[%get3A_53] {strides = array<i32>} : memref<4800xf32, #tpu.memory_space<vmem>>, vector<16xf32>,
    %get3A_55 = vector.shape_cast %get3A_54 : vector<16xf32> to vector<16xf32>
    %swap3A_56 = arith.constant 4432 : index
    %swap3A_57 = tpu.vector_load %arg4[%swap3A_56] {strides = array<i32>} : memref<4800xf32, #tpu.memory_space<vmem>>, vector<16xf32>,
    %swap3A_58 = vector.shape_cast %swap3A_57 : vector<16xf32> to vector<16xf32>
    %swap3A_59 = vector.shape_cast %get3A_55 : vector<16xf32> to vector<16xf32>
    tpu.vector_store %arg4[%swap3A_56], %swap3A_59 {strides = array<i32>} : memref<4800xf32, #tpu.memory_space<vmem>>, vector<16xf32>,
    %get3A_60 = arith.constant 448 : index
    %get3A_61 = tpu.vector_load %arg4[%get3A_60] {strides = array<i32>} : memref<4800xf32, #tpu.memory_space<vmem>>, vector<16xf32>,
    %get3A_62 = vector.shape_cast %get3A_61 : vector<16xf32> to vector<16xf32>
    %swap3A_63 = arith.constant 48 : index
    %swap3A_64 = tpu.vector_load %arg4[%swap3A_63] {strides = array<i32>} : memref<4800xf32, #tpu.memory_space<vmem>>, vector<16xf32>,
    %swap3A_65 = vector.shape_cast %swap3A_64 : vector<16xf32> to vector<16xf32>
    %swap3A_66 = vector.shape_cast %get3A_62 : vector<16xf32> to vector<16xf32>
    tpu.vector_store %arg4[%swap3A_63], %swap3A_66 {strides = array<i32>} : memref<4800xf32, #tpu.memory_space<vmem>>, vector<16xf32>,
    %get3A_67 = arith.constant 4048 : index
    %get3A_68 = tpu.vector_load %arg4[%get3A_67] {strides = array<i32>} : memref<4800xf32, #tpu.memory_space<vmem>>, vector<16xf32>,
    %get3A_69 = vector.shape_cast %get3A_68 : vector<16xf32> to vector<16xf32>
    %swap3A_70 = arith.constant 4448 : index
    %swap3A_71 = tpu.vector_load %arg4[%swap3A_70] {strides = array<i32>} : memref<4800xf32, #tpu.memory_space<vmem>>, vector<16xf32>,
    %swap3A_72 = vector.shape_cast %swap3A_71 : vector<16xf32> to vector<16xf32>
    %swap3A_73 = vector.shape_cast %get3A_69 : vector<16xf32> to vector<16xf32>
    tpu.vector_store %arg4[%swap3A_70], %swap3A_73 {strides = array<i32>} : memref<4800xf32, #tpu.memory_space<vmem>>, vector<16xf32>,
    %get3A_74 = arith.constant 464 : index
    %get3A_75 = tpu.vector_load %arg4[%get3A_74] {strides = array<i32>} : memref<4800xf32, #tpu.memory_space<vmem>>, vector<16xf32>,
    %get3A_76 = vector.shape_cast %get3A_75 : vector<16xf32> to vector<16xf32>
    %swap3A_77 = arith.constant 64 : index
    %swap3A_78 = tpu.vector_load %arg4[%swap3A_77] {strides = array<i32>} : memref<4800xf32, #tpu.memory_space<vmem>>, vector<16xf32>,
    %swap3A_79 = vector.shape_cast %swap3A_78 : vector<16xf32> to vector<16xf32>
    %swap3A_80 = vector.shape_cast %get3A_76 : vector<16xf32> to vector<16xf32>
    tpu.vector_store %arg4[%swap3A_77], %swap3A_80 {strides = array<i32>} : memref<4800xf32, #tpu.memory_space<vmem>>, vector<16xf32>,
    %get3A_81 = arith.constant 4064 : index
    %get3A_82 = tpu.vector_load %arg4[%get3A_81] {strides = array<i32>} : memref<4800xf32, #tpu.memory_space<vmem>>, vector<16xf32>,
    %get3A_83 = vector.shape_cast %get3A_82 : vector<16xf32> to vector<16xf32>
    %swap3A_84 = arith.constant 4464 : index
    %swap3A_85 = tpu.vector_load %arg4[%swap3A_84] {strides = array<i32>} : memref<4800xf32, #tpu.memory_space<vmem>>, vector<16xf32>,
    %swap3A_86 = vector.shape_cast %swap3A_85 : vector<16xf32> to vector<16xf32>
    %swap3A_87 = vector.shape_cast %get3A_83 : vector<16xf32> to vector<16xf32>
    tpu.vector_store %arg4[%swap3A_84], %swap3A_87 {strides = array<i32>} : memref<4800xf32, #tpu.memory_space<vmem>>, vector<16xf32>,
    %get3A_88 = arith.constant 480 : index
    %get3A_89 = tpu.vector_load %arg4[%get3A_88] {strides = array<i32>} : memref<4800xf32, #tpu.memory_space<vmem>>, vector<16xf32>,
    %get3A_90 = vector.shape_cast %get3A_89 : vector<16xf32> to vector<16xf32>
    %swap3A_91 = arith.constant 80 : index
    %swap3A_92 = tpu.vector_load %arg4[%swap3A_91] {strides = array<i32>} : memref<4800xf32, #tpu.memory_space<vmem>>, vector<16xf32>,
    %swap3A_93 = vector.shape_cast %swap3A_92 : vector<16xf32> to vector<16xf32>
    %swap3A_94 = vector.shape_cast %get3A_90 : vector<16xf32> to vector<16xf32>
    tpu.vector_store %arg4[%swap3A_91], %swap3A_94 {strides = array<i32>} : memref<4800xf32, #tpu.memory_space<vmem>>, vector<16xf32>,
    %get3A_95 = arith.constant 4080 : index
    %get3A_96 = tpu.vector_load %arg4[%get3A_95] {strides = array<i32>} : memref<4800xf32, #tpu.memory_space<vmem>>, vector<16xf32>,
    %get3A_97 = vector.shape_cast %get3A_96 : vector<16xf32> to vector<16xf32>
    %swap3A_98 = arith.constant 4480 : index
    %swap3A_99 = tpu.vector_load %arg4[%swap3A_98] {strides = array<i32>} : memref<4800xf32, #tpu.memory_space<vmem>>, vector<16xf32>,
    %swap3A_100 = vector.shape_cast %swap3A_99 : vector<16xf32> to vector<16xf32>
    %swap3A_101 = vector.shape_cast %get3A_97 : vector<16xf32> to vector<16xf32>
    tpu.vector_store %arg4[%swap3A_98], %swap3A_101 {strides = array<i32>} : memref<4800xf32, #tpu.memory_space<vmem>>, vector<16xf32>,
    %get3A_102 = arith.constant 496 : index
    %get3A_103 = tpu.vector_load %arg4[%get3A_102] {strides = array<i32>} : memref<4800xf32, #tpu.memory_space<vmem>>, vector<16xf32>,
    %get3A_104 = vector.shape_cast %get3A_103 : vector<16xf32> to vector<16xf32>
    %swap3A_105 = arith.constant 96 : index
    %swap3A_106 = tpu.vector_load %arg4[%swap3A_105] {strides = array<i32>} : memref<4800xf32, #tpu.memory_space<vmem>>, vector<16xf32>,
    %swap3A_107 = vector.shape_cast %swap3A_106 : vector<16xf32> to vector<16xf32>
    %swap3A_108 = vector.shape_cast %get3A_104 : vector<16xf32> to vector<16xf32>
    tpu.vector_store %arg4[%swap3A_105], %swap3A_108 {strides = array<i32>} : memref<4800xf32, #tpu.memory_space<vmem>>, vector<16xf32>,
    %get3A_109 = arith.constant 4096 : index
    %get3A_110 = tpu.vector_load %arg4[%get3A_109] {strides = array<i32>} : memref<4800xf32, #tpu.memory_space<vmem>>, vector<16xf32>,
    %get3A_111 = vector.shape_cast %get3A_110 : vector<16xf32> to vector<16xf32>
    %swap3A_112 = arith.constant 4496 : index
    %swap3A_113 = tpu.vector_load %arg4[%swap3A_112] {strides = array<i32>} : memref<4800xf32, #tpu.memory_space<vmem>>, vector<16xf32>,
    %swap3A_114 = vector.shape_cast %swap3A_113 : vector<16xf32> to vector<16xf32>
    %swap3A_115 = vector.shape_cast %get3A_111 : vector<16xf32> to vector<16xf32>
    tpu.vector_store %arg4[%swap3A_112], %swap3A_115 {strides = array<i32>} : memref<4800xf32, #tpu.memory_space<vmem>>, vector<16xf32>,
    %get3A_116 = arith.constant 512 : index
    %get3A_117 = tpu.vector_load %arg4[%get3A_116] {strides = array<i32>} : memref<4800xf32, #tpu.memory_space<vmem>>, vector<16xf32>,
    %get3A_118 = vector.shape_cast %get3A_117 : vector<16xf32> to vector<16xf32>
    %swap3A_119 = arith.constant 112 : index
    %swap3A_120 = tpu.vector_load %arg4[%swap3A_119] {strides = array<i32>} : memref<4800xf32, #tpu.memory_space<vmem>>, vector<16xf32>,
    %swap3A_121 = vector.shape_cast %swap3A_120 : vector<16xf32> to vector<16xf32>
    %swap3A_122 = vector.shape_cast %get3A_118 : vector<16xf32> to vector<16xf32>
    tpu.vector_store %arg4[%swap3A_119], %swap3A_122 {strides = array<i32>} : memref<4800xf32, #tpu.memory_space<vmem>>, vector<16xf32>,
    %get3A_123 = arith.constant 4112 : index
    %get3A_124 = tpu.vector_load %arg4[%get3A_123] {strides = array<i32>} : memref<4800xf32, #tpu.memory_space<vmem>>, vector<16xf32>,
    %get3A_125 = vector.shape_cast %get3A_124 : vector<16xf32> to vector<16xf32>
    %swap3A_126 = arith.constant 4512 : index
    %swap3A_127 = tpu.vector_load %arg4[%swap3A_126] {strides = array<i32>} : memref<4800xf32, #tpu.memory_space<vmem>>, vector<16xf32>,
    %swap3A_128 = vector.shape_cast %swap3A_127 : vector<16xf32> to vector<16xf32>
    %swap3A_129 = vector.shape_cast %get3A_125 : vector<16xf32> to vector<16xf32>
    tpu.vector_store %arg4[%swap3A_126], %swap3A_129 {strides = array<i32>} : memref<4800xf32, #tpu.memory_space<vmem>>, vector<16xf32>,
    %get3A_130 = arith.constant 528 : index
    %get3A_131 = tpu.vector_load %arg4[%get3A_130] {strides = array<i32>} : memref<4800xf32, #tpu.memory_space<vmem>>, vector<16xf32>,
    %get3A_132 = vector.shape_cast %get3A_131 : vector<16xf32> to vector<16xf32>
    %swap3A_133 = arith.constant 128 : index
    %swap3A_134 = tpu.vector_load %arg4[%swap3A_133] {strides = array<i32>} : memref<4800xf32, #tpu.memory_space<vmem>>, vector<16xf32>,
    %swap3A_135 = vector.shape_cast %swap3A_134 : vector<16xf32> to vector<16xf32>
    %swap3A_136 = vector.shape_cast %get3A_132 : vector<16xf32> to vector<16xf32>
    tpu.vector_store %arg4[%swap3A_133], %swap3A_136 {strides = array<i32>} : memref<4800xf32, #tpu.memory_space<vmem>>, vector<16xf32>,
    %get3A_137 = arith.constant 4128 : index
    %get3A_138 = tpu.vector_load %arg4[%get3A_137] {strides = array<i32>} : memref<4800xf32, #tpu.memory_space<vmem>>, vector<16xf32>,
    %get3A_139 = vector.shape_cast %get3A_138 : vector<16xf32> to vector<16xf32>
    %swap3A_140 = arith.constant 4528 : index
    %swap3A_141 = tpu.vector_load %arg4[%swap3A_140] {strides = array<i32>} : memref<4800xf32, #tpu.memory_space<vmem>>, vector<16xf32>,
    %swap3A_142 = vector.shape_cast %swap3A_141 : vector<16xf32> to vector<16xf32>
    %swap3A_143 = vector.shape_cast %get3A_139 : vector<16xf32> to vector<16xf32>
    tpu.vector_store %arg4[%swap3A_140], %swap3A_143 {strides = array<i32>} : memref<4800xf32, #tpu.memory_space<vmem>>, vector<16xf32>,
    %get3A_144 = arith.constant 544 : index
    %get3A_145 = tpu.vector_load %arg4[%get3A_144] {strides = array<i32>} : memref<4800xf32, #tpu.memory_space<vmem>>, vector<16xf32>,
    %get3A_146 = vector.shape_cast %get3A_145 : vector<16xf32> to vector<16xf32>
    %swap3A_147 = arith.constant 144 : index
    %swap3A_148 = tpu.vector_load %arg4[%swap3A_147] {strides = array<i32>} : memref<4800xf32, #tpu.memory_space<vmem>>, vector<16xf32>,
    %swap3A_149 = vector.shape_cast %swap3A_148 : vector<16xf32> to vector<16xf32>
    %swap3A_150 = vector.shape_cast %get3A_146 : vector<16xf32> to vector<16xf32>
    tpu.vector_store %arg4[%swap3A_147], %swap3A_150 {strides = array<i32>} : memref<4800xf32, #tpu.memory_space<vmem>>, vector<16xf32>,
    %get3A_151 = arith.constant 4144 : index
    %get3A_152 = tpu.vector_load %arg4[%get3A_151] {strides = array<i32>} : memref<4800xf32, #tpu.memory_space<vmem>>, vector<16xf32>,
    %get3A_153 = vector.shape_cast %get3A_152 : vector<16xf32> to vector<16xf32>
    %swap3A_154 = arith.constant 4544 : index
    %swap3A_155 = tpu.vector_load %arg4[%swap3A_154] {strides = array<i32>} : memref<4800xf32, #tpu.memory_space<vmem>>, vector<16xf32>,
    %swap3A_156 = vector.shape_cast %swap3A_155 : vector<16xf32> to vector<16xf32>
    %swap3A_157 = vector.shape_cast %get3A_153 : vector<16xf32> to vector<16xf32>
    tpu.vector_store %arg4[%swap3A_154], %swap3A_157 {strides = array<i32>} : memref<4800xf32, #tpu.memory_space<vmem>>, vector<16xf32>,
    %get3A_158 = arith.constant 560 : index
    %get3A_159 = tpu.vector_load %arg4[%get3A_158] {strides = array<i32>} : memref<4800xf32, #tpu.memory_space<vmem>>, vector<16xf32>,
    %get3A_160 = vector.shape_cast %get3A_159 : vector<16xf32> to vector<16xf32>
    %swap3A_161 = arith.constant 160 : index
    %swap3A_162 = tpu.vector_load %arg4[%swap3A_161] {strides = array<i32>} : memref<4800xf32, #tpu.memory_space<vmem>>, vector<16xf32>,
    %swap3A_163 = vector.shape_cast %swap3A_162 : vector<16xf32> to vector<16xf32>
    %swap3A_164 = vector.shape_cast %get3A_160 : vector<16xf32> to vector<16xf32>
    tpu.vector_store %arg4[%swap3A_161], %swap3A_164 {strides = array<i32>} : memref<4800xf32, #tpu.memory_space<vmem>>, vector<16xf32>,
    %get3A_165 = arith.constant 4160 : index
    %get3A_166 = tpu.vector_load %arg4[%get3A_165] {strides = array<i32>} : memref<4800xf32, #tpu.memory_space<vmem>>, vector<16xf32>,
    %get3A_167 = vector.shape_cast %get3A_166 : vector<16xf32> to vector<16xf32>
    %swap3A_168 = arith.constant 4560 : index
    %swap3A_169 = tpu.vector_load %arg4[%swap3A_168] {strides = array<i32>} : memref<4800xf32, #tpu.memory_space<vmem>>, vector<16xf32>,
    %swap3A_170 = vector.shape_cast %swap3A_169 : vector<16xf32> to vector<16xf32>
    %swap3A_171 = vector.shape_cast %get3A_167 : vector<16xf32> to vector<16xf32>
    tpu.vector_store %arg4[%swap3A_168], %swap3A_171 {strides = array<i32>} : memref<4800xf32, #tpu.memory_space<vmem>>, vector<16xf32>,
    %get3A_172 = arith.constant 576 : index
    %get3A_173 = tpu.vector_load %arg4[%get3A_172] {strides = array<i32>} : memref<4800xf32, #tpu.memory_space<vmem>>, vector<16xf32>,
    %get3A_174 = vector.shape_cast %get3A_173 : vector<16xf32> to vector<16xf32>
    %swap3A_175 = arith.constant 176 : index
    %swap3A_176 = tpu.vector_load %arg4[%swap3A_175] {strides = array<i32>} : memref<4800xf32, #tpu.memory_space<vmem>>, vector<16xf32>,
    %swap3A_177 = vector.shape_cast %swap3A_176 : vector<16xf32> to vector<16xf32>
    %swap3A_178 = vector.shape_cast %get3A_174 : vector<16xf32> to vector<16xf32>
    tpu.vector_store %arg4[%swap3A_175], %swap3A_178 {strides = array<i32>} : memref<4800xf32, #tpu.memory_space<vmem>>, vector<16xf32>,
    %get3A_179 = arith.constant 4176 : index
    %get3A_180 = tpu.vector_load %arg4[%get3A_179] {strides = array<i32>} : memref<4800xf32, #tpu.memory_space<vmem>>, vector<16xf32>,
    %get3A_181 = vector.shape_cast %get3A_180 : vector<16xf32> to vector<16xf32>
    %swap3A_182 = arith.constant 4576 : index
    %swap3A_183 = tpu.vector_load %arg4[%swap3A_182] {strides = array<i32>} : memref<4800xf32, #tpu.memory_space<vmem>>, vector<16xf32>,
    %swap3A_184 = vector.shape_cast %swap3A_183 : vector<16xf32> to vector<16xf32>
    %swap3A_185 = vector.shape_cast %get3A_181 : vector<16xf32> to vector<16xf32>
    tpu.vector_store %arg4[%swap3A_182], %swap3A_185 {strides = array<i32>} : memref<4800xf32, #tpu.memory_space<vmem>>, vector<16xf32>,
    %get3A_186 = arith.constant 592 : index
    %get3A_187 = tpu.vector_load %arg4[%get3A_186] {strides = array<i32>} : memref<4800xf32, #tpu.memory_space<vmem>>, vector<16xf32>,
    %get3A_188 = vector.shape_cast %get3A_187 : vector<16xf32> to vector<16xf32>
    %swap3A_189 = arith.constant 192 : index
    %swap3A_190 = tpu.vector_load %arg4[%swap3A_189] {strides = array<i32>} : memref<4800xf32, #tpu.memory_space<vmem>>, vector<16xf32>,
    %swap3A_191 = vector.shape_cast %swap3A_190 : vector<16xf32> to vector<16xf32>
    %swap3A_192 = vector.shape_cast %get3A_188 : vector<16xf32> to vector<16xf32>
    tpu.vector_store %arg4[%swap3A_189], %swap3A_192 {strides = array<i32>} : memref<4800xf32, #tpu.memory_space<vmem>>, vector<16xf32>,
    %get3A_193 = arith.constant 4192 : index
    %get3A_194 = tpu.vector_load %arg4[%get3A_193] {strides = array<i32>} : memref<4800xf32, #tpu.memory_space<vmem>>, vector<16xf32>,
    %get3A_195 = vector.shape_cast %get3A_194 : vector<16xf32> to vector<16xf32>
    %swap3A_196 = arith.constant 4592 : index
    %swap3A_197 = tpu.vector_load %arg4[%swap3A_196] {strides = array<i32>} : memref<4800xf32, #tpu.memory_space<vmem>>, vector<16xf32>,
    %swap3A_198 = vector.shape_cast %swap3A_197 : vector<16xf32> to vector<16xf32>
    %swap3A_199 = vector.shape_cast %get3A_195 : vector<16xf32> to vector<16xf32>
    tpu.vector_store %arg4[%swap3A_196], %swap3A_199 {strides = array<i32>} : memref<4800xf32, #tpu.memory_space<vmem>>, vector<16xf32>,
    %get3A_200 = arith.constant 608 : index
    %get3A_201 = tpu.vector_load %arg4[%get3A_200] {strides = array<i32>} : memref<4800xf32, #tpu.memory_space<vmem>>, vector<16xf32>,
    %get3A_202 = vector.shape_cast %get3A_201 : vector<16xf32> to vector<16xf32>
    %swap3A_203 = arith.constant 208 : index
    %swap3A_204 = tpu.vector_load %arg4[%swap3A_203] {strides = array<i32>} : memref<4800xf32, #tpu.memory_space<vmem>>, vector<16xf32>,
    %swap3A_205 = vector.shape_cast %swap3A_204 : vector<16xf32> to vector<16xf32>
    %swap3A_206 = vector.shape_cast %get3A_202 : vector<16xf32> to vector<16xf32>
    tpu.vector_store %arg4[%swap3A_203], %swap3A_206 {strides = array<i32>} : memref<4800xf32, #tpu.memory_space<vmem>>, vector<16xf32>,
    %get3A_207 = arith.constant 4208 : index
    %get3A_208 = tpu.vector_load %arg4[%get3A_207] {strides = array<i32>} : memref<4800xf32, #tpu.memory_space<vmem>>, vector<16xf32>,
    %get3A_209 = vector.shape_cast %get3A_208 : vector<16xf32> to vector<16xf32>
    %swap3A_210 = arith.constant 4608 : index
    %swap3A_211 = tpu.vector_load %arg4[%swap3A_210] {strides = array<i32>} : memref<4800xf32, #tpu.memory_space<vmem>>, vector<16xf32>,
    %swap3A_212 = vector.shape_cast %swap3A_211 : vector<16xf32> to vector<16xf32>
    %swap3A_213 = vector.shape_cast %get3A_209 : vector<16xf32> to vector<16xf32>
    tpu.vector_store %arg4[%swap3A_210], %swap3A_213 {strides = array<i32>} : memref<4800xf32, #tpu.memory_space<vmem>>, vector<16xf32>,
    %get3A_214 = arith.constant 624 : index
    %get3A_215 = tpu.vector_load %arg4[%get3A_214] {strides = array<i32>} : memref<4800xf32, #tpu.memory_space<vmem>>, vector<16xf32>,
    %get3A_216 = vector.shape_cast %get3A_215 : vector<16xf32> to vector<16xf32>
    %swap3A_217 = arith.constant 224 : index
    %swap3A_218 = tpu.vector_load %arg4[%swap3A_217] {strides = array<i32>} : memref<4800xf32, #tpu.memory_space<vmem>>, vector<16xf32>,
    %swap3A_219 = vector.shape_cast %swap3A_218 : vector<16xf32> to vector<16xf32>
    %swap3A_220 = vector.shape_cast %get3A_216 : vector<16xf32> to vector<16xf32>
    tpu.vector_store %arg4[%swap3A_217], %swap3A_220 {strides = array<i32>} : memref<4800xf32, #tpu.memory_space<vmem>>, vector<16xf32>,
    %get3A_221 = arith.constant 4224 : index
    %get3A_222 = tpu.vector_load %arg4[%get3A_221] {strides = array<i32>} : memref<4800xf32, #tpu.memory_space<vmem>>, vector<16xf32>,
    %get3A_223 = vector.shape_cast %get3A_222 : vector<16xf32> to vector<16xf32>
    %swap3A_224 = arith.constant 4624 : index
    %swap3A_225 = tpu.vector_load %arg4[%swap3A_224] {strides = array<i32>} : memref<4800xf32, #tpu.memory_space<vmem>>, vector<16xf32>,
    %swap3A_226 = vector.shape_cast %swap3A_225 : vector<16xf32> to vector<16xf32>
    %swap3A_227 = vector.shape_cast %get3A_223 : vector<16xf32> to vector<16xf32>
    tpu.vector_store %arg4[%swap3A_224], %swap3A_227 {strides = array<i32>} : memref<4800xf32, #tpu.memory_space<vmem>>, vector<16xf32>,
    %get3A_228 = arith.constant 640 : index
    %get3A_229 = tpu.vector_load %arg4[%get3A_228] {strides = array<i32>} : memref<4800xf32, #tpu.memory_space<vmem>>, vector<16xf32>,
    %get3A_230 = vector.shape_cast %get3A_229 : vector<16xf32> to vector<16xf32>
    %swap3A_231 = arith.constant 240 : index
    %swap3A_232 = tpu.vector_load %arg4[%swap3A_231] {strides = array<i32>} : memref<4800xf32, #tpu.memory_space<vmem>>, vector<16xf32>,
    %swap3A_233 = vector.shape_cast %swap3A_232 : vector<16xf32> to vector<16xf32>
    %swap3A_234 = vector.shape_cast %get3A_230 : vector<16xf32> to vector<16xf32>
    tpu.vector_store %arg4[%swap3A_231], %swap3A_234 {strides = array<i32>} : memref<4800xf32, #tpu.memory_space<vmem>>, vector<16xf32>,
    %get3A_235 = arith.constant 4240 : index
    %get3A_236 = tpu.vector_load %arg4[%get3A_235] {strides = array<i32>} : memref<4800xf32, #tpu.memory_space<vmem>>, vector<16xf32>,
    %get3A_237 = vector.shape_cast %get3A_236 : vector<16xf32> to vector<16xf32>
    %swap3A_238 = arith.constant 4640 : index
    %swap3A_239 = tpu.vector_load %arg4[%swap3A_238] {strides = array<i32>} : memref<4800xf32, #tpu.memory_space<vmem>>, vector<16xf32>,
    %swap3A_240 = vector.shape_cast %swap3A_239 : vector<16xf32> to vector<16xf32>
    %swap3A_241 = vector.shape_cast %get3A_237 : vector<16xf32> to vector<16xf32>
    tpu.vector_store %arg4[%swap3A_238], %swap3A_241 {strides = array<i32>} : memref<4800xf32, #tpu.memory_space<vmem>>, vector<16xf32>,
    %get3A_242 = arith.constant 656 : index
    %get3A_243 = tpu.vector_load %arg4[%get3A_242] {strides = array<i32>} : memref<4800xf32, #tpu.memory_space<vmem>>, vector<16xf32>,
    %get3A_244 = vector.shape_cast %get3A_243 : vector<16xf32> to vector<16xf32>
    %swap3A_245 = arith.constant 256 : index
    %swap3A_246 = tpu.vector_load %arg4[%swap3A_245] {strides = array<i32>} : memref<4800xf32, #tpu.memory_space<vmem>>, vector<16xf32>,
    %swap3A_247 = vector.shape_cast %swap3A_246 : vector<16xf32> to vector<16xf32>
    %swap3A_248 = vector.shape_cast %get3A_244 : vector<16xf32> to vector<16xf32>
    tpu.vector_store %arg4[%swap3A_245], %swap3A_248 {strides = array<i32>} : memref<4800xf32, #tpu.memory_space<vmem>>, vector<16xf32>,
    %get3A_249 = arith.constant 4256 : index
    %get3A_250 = tpu.vector_load %arg4[%get3A_249] {strides = array<i32>} : memref<4800xf32, #tpu.memory_space<vmem>>, vector<16xf32>,
    %get3A_251 = vector.shape_cast %get3A_250 : vector<16xf32> to vector<16xf32>
    %swap3A_252 = arith.constant 4656 : index
    %swap3A_253 = tpu.vector_load %arg4[%swap3A_252] {strides = array<i32>} : memref<4800xf32, #tpu.memory_space<vmem>>, vector<16xf32>,
    %swap3A_254 = vector.shape_cast %swap3A_253 : vector<16xf32> to vector<16xf32>
    %swap3A_255 = vector.shape_cast %get3A_251 : vector<16xf32> to vector<16xf32>
    tpu.vector_store %arg4[%swap3A_252], %swap3A_255 {strides = array<i32>} : memref<4800xf32, #tpu.memory_space<vmem>>, vector<16xf32>,
    %get3A_256 = arith.constant 672 : index
    %get3A_257 = tpu.vector_load %arg4[%get3A_256] {strides = array<i32>} : memref<4800xf32, #tpu.memory_space<vmem>>, vector<16xf32>,
    %get3A_258 = vector.shape_cast %get3A_257 : vector<16xf32> to vector<16xf32>
    %swap3A_259 = arith.constant 272 : index
    %swap3A_260 = tpu.vector_load %arg4[%swap3A_259] {strides = array<i32>} : memref<4800xf32, #tpu.memory_space<vmem>>, vector<16xf32>,
    %swap3A_261 = vector.shape_cast %swap3A_260 : vector<16xf32> to vector<16xf32>
    %swap3A_262 = vector.shape_cast %get3A_258 : vector<16xf32> to vector<16xf32>
    tpu.vector_store %arg4[%swap3A_259], %swap3A_262 {strides = array<i32>} : memref<4800xf32, #tpu.memory_space<vmem>>, vector<16xf32>,
    %get3A_263 = arith.constant 4272 : index
    %get3A_264 = tpu.vector_load %arg4[%get3A_263] {strides = array<i32>} : memref<4800xf32, #tpu.memory_space<vmem>>, vector<16xf32>,
    %get3A_265 = vector.shape_cast %get3A_264 : vector<16xf32> to vector<16xf32>
    %swap3A_266 = arith.constant 4672 : index
    %swap3A_267 = tpu.vector_load %arg4[%swap3A_266] {strides = array<i32>} : memref<4800xf32, #tpu.memory_space<vmem>>, vector<16xf32>,
    %swap3A_268 = vector.shape_cast %swap3A_267 : vector<16xf32> to vector<16xf32>
    %swap3A_269 = vector.shape_cast %get3A_265 : vector<16xf32> to vector<16xf32>
    tpu.vector_store %arg4[%swap3A_266], %swap3A_269 {strides = array<i32>} : memref<4800xf32, #tpu.memory_space<vmem>>, vector<16xf32>,
    %get3A_270 = arith.constant 688 : index
    %get3A_271 = tpu.vector_load %arg4[%get3A_270] {strides = array<i32>} : memref<4800xf32, #tpu.memory_space<vmem>>, vector<16xf32>,
    %get3A_272 = vector.shape_cast %get3A_271 : vector<16xf32> to vector<16xf32>
    %swap3A_273 = arith.constant 288 : index
    %swap3A_274 = tpu.vector_load %arg4[%swap3A_273] {strides = array<i32>} : memref<4800xf32, #tpu.memory_space<vmem>>, vector<16xf32>,
    %swap3A_275 = vector.shape_cast %swap3A_274 : vector<16xf32> to vector<16xf32>
    %swap3A_276 = vector.shape_cast %get3A_272 : vector<16xf32> to vector<16xf32>
    tpu.vector_store %arg4[%swap3A_273], %swap3A_276 {strides = array<i32>} : memref<4800xf32, #tpu.memory_space<vmem>>, vector<16xf32>,
    %get3A_277 = arith.constant 4288 : index
    %get3A_278 = tpu.vector_load %arg4[%get3A_277] {strides = array<i32>} : memref<4800xf32, #tpu.memory_space<vmem>>, vector<16xf32>,
    %get3A_279 = vector.shape_cast %get3A_278 : vector<16xf32> to vector<16xf32>
    %swap3A_280 = arith.constant 4688 : index
    %swap3A_281 = tpu.vector_load %arg4[%swap3A_280] {strides = array<i32>} : memref<4800xf32, #tpu.memory_space<vmem>>, vector<16xf32>,
    %swap3A_282 = vector.shape_cast %swap3A_281 : vector<16xf32> to vector<16xf32>
    %swap3A_283 = vector.shape_cast %get3A_279 : vector<16xf32> to vector<16xf32>
    tpu.vector_store %arg4[%swap3A_280], %swap3A_283 {strides = array<i32>} : memref<4800xf32, #tpu.memory_space<vmem>>, vector<16xf32>,
    %get3A_284 = arith.constant 704 : index
    %get3A_285 = tpu.vector_load %arg4[%get3A_284] {strides = array<i32>} : memref<4800xf32, #tpu.memory_space<vmem>>, vector<16xf32>,
    %get3A_286 = vector.shape_cast %get3A_285 : vector<16xf32> to vector<16xf32>
    %swap3A_287 = arith.constant 304 : index
    %swap3A_288 = tpu.vector_load %arg4[%swap3A_287] {strides = array<i32>} : memref<4800xf32, #tpu.memory_space<vmem>>, vector<16xf32>,
    %swap3A_289 = vector.shape_cast %swap3A_288 : vector<16xf32> to vector<16xf32>
    %swap3A_290 = vector.shape_cast %get3A_286 : vector<16xf32> to vector<16xf32>
    tpu.vector_store %arg4[%swap3A_287], %swap3A_290 {strides = array<i32>} : memref<4800xf32, #tpu.memory_space<vmem>>, vector<16xf32>,
    %get3A_291 = arith.constant 4304 : index
    %get3A_292 = tpu.vector_load %arg4[%get3A_291] {strides = array<i32>} : memref<4800xf32, #tpu.memory_space<vmem>>, vector<16xf32>,
    %get3A_293 = vector.shape_cast %get3A_292 : vector<16xf32> to vector<16xf32>
    %swap3A_294 = arith.constant 4704 : index
    %swap3A_295 = tpu.vector_load %arg4[%swap3A_294] {strides = array<i32>} : memref<4800xf32, #tpu.memory_space<vmem>>, vector<16xf32>,
    %swap3A_296 = vector.shape_cast %swap3A_295 : vector<16xf32> to vector<16xf32>
    %swap3A_297 = vector.shape_cast %get3A_293 : vector<16xf32> to vector<16xf32>
    tpu.vector_store %arg4[%swap3A_294], %swap3A_297 {strides = array<i32>} : memref<4800xf32, #tpu.memory_space<vmem>>, vector<16xf32>,
    %get3A_298 = arith.constant 720 : index
    %get3A_299 = tpu.vector_load %arg4[%get3A_298] {strides = array<i32>} : memref<4800xf32, #tpu.memory_space<vmem>>, vector<16xf32>,
    %get3A_300 = vector.shape_cast %get3A_299 : vector<16xf32> to vector<16xf32>
    %swap3A_301 = arith.constant 320 : index
    %swap3A_302 = tpu.vector_load %arg4[%swap3A_301] {strides = array<i32>} : memref<4800xf32, #tpu.memory_space<vmem>>, vector<16xf32>,
    %swap3A_303 = vector.shape_cast %swap3A_302 : vector<16xf32> to vector<16xf32>
    %swap3A_304 = vector.shape_cast %get3A_300 : vector<16xf32> to vector<16xf32>
    tpu.vector_store %arg4[%swap3A_301], %swap3A_304 {strides = array<i32>} : memref<4800xf32, #tpu.memory_space<vmem>>, vector<16xf32>,
    %get3A_305 = arith.constant 4320 : index
    %get3A_306 = tpu.vector_load %arg4[%get3A_305] {strides = array<i32>} : memref<4800xf32, #tpu.memory_space<vmem>>, vector<16xf32>,
    %get3A_307 = vector.shape_cast %get3A_306 : vector<16xf32> to vector<16xf32>
    %swap3A_308 = arith.constant 4720 : index
    %swap3A_309 = tpu.vector_load %arg4[%swap3A_308] {strides = array<i32>} : memref<4800xf32, #tpu.memory_space<vmem>>, vector<16xf32>,
    %swap3A_310 = vector.shape_cast %swap3A_309 : vector<16xf32> to vector<16xf32>
    %swap3A_311 = vector.shape_cast %get3A_307 : vector<16xf32> to vector<16xf32>
    tpu.vector_store %arg4[%swap3A_308], %swap3A_311 {strides = array<i32>} : memref<4800xf32, #tpu.memory_space<vmem>>, vector<16xf32>,
    %get3A_312 = arith.constant 736 : index
    %get3A_313 = tpu.vector_load %arg4[%get3A_312] {strides = array<i32>} : memref<4800xf32, #tpu.memory_space<vmem>>, vector<16xf32>,
    %get3A_314 = vector.shape_cast %get3A_313 : vector<16xf32> to vector<16xf32>
    %swap3A_315 = arith.constant 336 : index
    %swap3A_316 = tpu.vector_load %arg4[%swap3A_315] {strides = array<i32>} : memref<4800xf32, #tpu.memory_space<vmem>>, vector<16xf32>,
    %swap3A_317 = vector.shape_cast %swap3A_316 : vector<16xf32> to vector<16xf32>
    %swap3A_318 = vector.shape_cast %get3A_314 : vector<16xf32> to vector<16xf32>
    tpu.vector_store %arg4[%swap3A_315], %swap3A_318 {strides = array<i32>} : memref<4800xf32, #tpu.memory_space<vmem>>, vector<16xf32>,
    %get3A_319 = arith.constant 4336 : index
    %get3A_320 = tpu.vector_load %arg4[%get3A_319] {strides = array<i32>} : memref<4800xf32, #tpu.memory_space<vmem>>, vector<16xf32>,
    %get3A_321 = vector.shape_cast %get3A_320 : vector<16xf32> to vector<16xf32>
    %swap3A_322 = arith.constant 4736 : index
    %swap3A_323 = tpu.vector_load %arg4[%swap3A_322] {strides = array<i32>} : memref<4800xf32, #tpu.memory_space<vmem>>, vector<16xf32>,
    %swap3A_324 = vector.shape_cast %swap3A_323 : vector<16xf32> to vector<16xf32>
    %swap3A_325 = vector.shape_cast %get3A_321 : vector<16xf32> to vector<16xf32>
    tpu.vector_store %arg4[%swap3A_322], %swap3A_325 {strides = array<i32>} : memref<4800xf32, #tpu.memory_space<vmem>>, vector<16xf32>,
    %get3A_326 = arith.constant 752 : index
    %get3A_327 = tpu.vector_load %arg4[%get3A_326] {strides = array<i32>} : memref<4800xf32, #tpu.memory_space<vmem>>, vector<16xf32>,
    %get3A_328 = vector.shape_cast %get3A_327 : vector<16xf32> to vector<16xf32>
    %swap3A_329 = arith.constant 352 : index
    %swap3A_330 = tpu.vector_load %arg4[%swap3A_329] {strides = array<i32>} : memref<4800xf32, #tpu.memory_space<vmem>>, vector<16xf32>,
    %swap3A_331 = vector.shape_cast %swap3A_330 : vector<16xf32> to vector<16xf32>
    %swap3A_332 = vector.shape_cast %get3A_328 : vector<16xf32> to vector<16xf32>
    tpu.vector_store %arg4[%swap3A_329], %swap3A_332 {strides = array<i32>} : memref<4800xf32, #tpu.memory_space<vmem>>, vector<16xf32>,
    %get3A_333 = arith.constant 4352 : index
    %get3A_334 = tpu.vector_load %arg4[%get3A_333] {strides = array<i32>} : memref<4800xf32, #tpu.memory_space<vmem>>, vector<16xf32>,
    %get3A_335 = vector.shape_cast %get3A_334 : vector<16xf32> to vector<16xf32>
    %swap3A_336 = arith.constant 4752 : index
    %swap3A_337 = tpu.vector_load %arg4[%swap3A_336] {strides = array<i32>} : memref<4800xf32, #tpu.memory_space<vmem>>, vector<16xf32>,
    %swap3A_338 = vector.shape_cast %swap3A_337 : vector<16xf32> to vector<16xf32>
    %swap3A_339 = vector.shape_cast %get3A_335 : vector<16xf32> to vector<16xf32>
    tpu.vector_store %arg4[%swap3A_336], %swap3A_339 {strides = array<i32>} : memref<4800xf32, #tpu.memory_space<vmem>>, vector<16xf32>,
    %get3A_340 = arith.constant 768 : index
    %get3A_341 = tpu.vector_load %arg4[%get3A_340] {strides = array<i32>} : memref<4800xf32, #tpu.memory_space<vmem>>, vector<16xf32>,
    %get3A_342 = vector.shape_cast %get3A_341 : vector<16xf32> to vector<16xf32>
    %swap3A_343 = arith.constant 368 : index
    %swap3A_344 = tpu.vector_load %arg4[%swap3A_343] {strides = array<i32>} : memref<4800xf32, #tpu.memory_space<vmem>>, vector<16xf32>,
    %swap3A_345 = vector.shape_cast %swap3A_344 : vector<16xf32> to vector<16xf32>
    %swap3A_346 = vector.shape_cast %get3A_342 : vector<16xf32> to vector<16xf32>
    tpu.vector_store %arg4[%swap3A_343], %swap3A_346 {strides = array<i32>} : memref<4800xf32, #tpu.memory_space<vmem>>, vector<16xf32>,
    %get3A_347 = arith.constant 4368 : index
    %get3A_348 = tpu.vector_load %arg4[%get3A_347] {strides = array<i32>} : memref<4800xf32, #tpu.memory_space<vmem>>, vector<16xf32>,
    %get3A_349 = vector.shape_cast %get3A_348 : vector<16xf32> to vector<16xf32>
    %swap3A_350 = arith.constant 4768 : index
    %swap3A_351 = tpu.vector_load %arg4[%swap3A_350] {strides = array<i32>} : memref<4800xf32, #tpu.memory_space<vmem>>, vector<16xf32>,
    %swap3A_352 = vector.shape_cast %swap3A_351 : vector<16xf32> to vector<16xf32>
    %swap3A_353 = vector.shape_cast %get3A_349 : vector<16xf32> to vector<16xf32>
    tpu.vector_store %arg4[%swap3A_350], %swap3A_353 {strides = array<i32>} : memref<4800xf32, #tpu.memory_space<vmem>>, vector<16xf32>,
    %get3A_354 = arith.constant 784 : index
    %get3A_355 = tpu.vector_load %arg4[%get3A_354] {strides = array<i32>} : memref<4800xf32, #tpu.memory_space<vmem>>, vector<16xf32>,
    %get3A_356 = vector.shape_cast %get3A_355 : vector<16xf32> to vector<16xf32>
    %swap3A_357 = arith.constant 384 : index
    %swap3A_358 = tpu.vector_load %arg4[%swap3A_357] {strides = array<i32>} : memref<4800xf32, #tpu.memory_space<vmem>>, vector<16xf32>,
    %swap3A_359 = vector.shape_cast %swap3A_358 : vector<16xf32> to vector<16xf32>
    %swap3A_360 = vector.shape_cast %get3A_356 : vector<16xf32> to vector<16xf32>
    tpu.vector_store %arg4[%swap3A_357], %swap3A_360 {strides = array<i32>} : memref<4800xf32, #tpu.memory_space<vmem>>, vector<16xf32>,
    %get3A_361 = arith.constant 4384 : index
    %get3A_362 = tpu.vector_load %arg4[%get3A_361] {strides = array<i32>} : memref<4800xf32, #tpu.memory_space<vmem>>, vector<16xf32>,
    %get3A_363 = vector.shape_cast %get3A_362 : vector<16xf32> to vector<16xf32>
    %swap3A_364 = arith.constant 4784 : index
    %swap3A_365 = tpu.vector_load %arg4[%swap3A_364] {strides = array<i32>} : memref<4800xf32, #tpu.memory_space<vmem>>, vector<16xf32>,
    %swap3A_366 = vector.shape_cast %swap3A_365 : vector<16xf32> to vector<16xf32>
    %swap3A_367 = vector.shape_cast %get3A_363 : vector<16xf32> to vector<16xf32>
    tpu.vector_store %arg4[%swap3A_364], %swap3A_367 {strides = array<i32>} : memref<4800xf32, #tpu.memory_space<vmem>>, vector<16xf32>,
    %scan3A = arith.constant 0 : i32
    %scan3A_368 = arith.constant 8 : i32
    %scan3A_369 = arith.addi %scan3A, %scan3A_368 : i32
    %scan3A_370 = arith.constant 1 : i32
    scf.for %scan3A_378 = %scan3A to %scan3A_369 step %scan3A_370  : i32 {
      %mul3A_379 = arith.constant 1 : i32
      %mul3A_380 = arith.muli %scan3A_378, %mul3A_379 : i32
      %add3A_381 = arith.constant 0 : i32
      %add3A_382 = arith.addi %add3A_381, %mul3A_380 : i32
      %add3A_383 = arith.addi %min3A_3, %add3A_382 : i32
      %sub3A_384 = arith.subi %add3A_383, %min3A_7 : i32
      %mul3A_385 = arith.constant 400 : i32
      %mul3A_386 = arith.muli %sub3A_384, %mul3A_385 : i32
      %add3A_387 = arith.constant 400 : i32
      %add3A_388 = arith.addi %mul3A_386, %add3A_387 : i32
      %add3A_389 = arith.constant 0 : i32
      %add3A_390 = arith.addi %add3A_388, %add3A_389 : i32
      %get3A_391 = arith.index_cast %add3A_390 : i32 to index
      %get3A_392 = tpu.vector_load %arg4[%get3A_391] {strides = array<i32>} : memref<4800xf32, #tpu.memory_space<vmem>>, vector<16xf32>,
      %get3A_393 = vector.shape_cast %get3A_392 : vector<16xf32> to vector<16xf32>
      %mul3A_394 = arith.constant 400 : i32
      %mul3A_395 = arith.muli %add3A_382, %mul3A_394 : i32
      %add3A_396 = arith.constant 0 : i32
      %add3A_397 = arith.addi %mul3A_395, %add3A_396 : i32
      %swap3A_398 = arith.index_cast %add3A_397 : i32 to index
      %swap3A_399 = tpu.vector_load %arg5[%swap3A_398] {strides = array<i32>} : memref<3200xf32, #tpu.memory_space<vmem>>, vector<16xf32>,
      %swap3A_400 = vector.shape_cast %swap3A_399 : vector<16xf32> to vector<16xf32>
      %swap3A_401 = vector.shape_cast %get3A_393 : vector<16xf32> to vector<16xf32>
      tpu.vector_store %arg5[%swap3A_398], %swap3A_401 {strides = array<i32>} : memref<3200xf32, #tpu.memory_space<vmem>>, vector<16xf32>,
      %add3A_402 = arith.constant 16 : i32
      %add3A_403 = arith.addi %add3A_388, %add3A_402 : i32
      %get3A_404 = arith.index_cast %add3A_403 : i32 to index
      %get3A_405 = tpu.vector_load %arg4[%get3A_404] {strides = array<i32>} : memref<4800xf32, #tpu.memory_space<vmem>>, vector<16xf32>,
      %get3A_406 = vector.shape_cast %get3A_405 : vector<16xf32> to vector<16xf32>
      %mul3A_407 = arith.constant 400 : i32
      %mul3A_408 = arith.muli %add3A_382, %mul3A_407 : i32
      %add3A_409 = arith.constant 16 : i32
      %add3A_410 = arith.addi %mul3A_408, %add3A_409 : i32
      %swap3A_411 = arith.index_cast %add3A_410 : i32 to index
      %swap3A_412 = tpu.vector_load %arg5[%swap3A_411] {strides = array<i32>} : memref<3200xf32, #tpu.memory_space<vmem>>, vector<16xf32>,
      %swap3A_413 = vector.shape_cast %swap3A_412 : vector<16xf32> to vector<16xf32>
      %swap3A_414 = vector.shape_cast %get3A_406 : vector<16xf32> to vector<16xf32>
      tpu.vector_store %arg5[%swap3A_411], %swap3A_414 {strides = array<i32>} : memref<3200xf32, #tpu.memory_space<vmem>>, vector<16xf32>,
      %add3A_415 = arith.constant 32 : i32
      %add3A_416 = arith.addi %add3A_388, %add3A_415 : i32
      %get3A_417 = arith.index_cast %add3A_416 : i32 to index
      %get3A_418 = tpu.vector_load %arg4[%get3A_417] {strides = array<i32>} : memref<4800xf32, #tpu.memory_space<vmem>>, vector<16xf32>,
      %get3A_419 = vector.shape_cast %get3A_418 : vector<16xf32> to vector<16xf32>
      %mul3A_420 = arith.constant 400 : i32
      %mul3A_421 = arith.muli %add3A_382, %mul3A_420 : i32
      %add3A_422 = arith.constant 32 : i32
      %add3A_423 = arith.addi %mul3A_421, %add3A_422 : i32
      %swap3A_424 = arith.index_cast %add3A_423 : i32 to index
      %swap3A_425 = tpu.vector_load %arg5[%swap3A_424] {strides = array<i32>} : memref<3200xf32, #tpu.memory_space<vmem>>, vector<16xf32>,
      %swap3A_426 = vector.shape_cast %swap3A_425 : vector<16xf32> to vector<16xf32>
      %swap3A_427 = vector.shape_cast %get3A_419 : vector<16xf32> to vector<16xf32>
      tpu.vector_store %arg5[%swap3A_424], %swap3A_427 {strides = array<i32>} : memref<3200xf32, #tpu.memory_space<vmem>>, vector<16xf32>,
      %add3A_428 = arith.constant 48 : i32
      %add3A_429 = arith.addi %add3A_388, %add3A_428 : i32
      %get3A_430 = arith.index_cast %add3A_429 : i32 to index
      %get3A_431 = tpu.vector_load %arg4[%get3A_430] {strides = array<i32>} : memref<4800xf32, #tpu.memory_space<vmem>>, vector<16xf32>,
      %get3A_432 = vector.shape_cast %get3A_431 : vector<16xf32> to vector<16xf32>
      %mul3A_433 = arith.constant 400 : i32
      %mul3A_434 = arith.muli %add3A_382, %mul3A_433 : i32
      %add3A_435 = arith.constant 48 : i32
      %add3A_436 = arith.addi %mul3A_434, %add3A_435 : i32
      %swap3A_437 = arith.index_cast %add3A_436 : i32 to index
      %swap3A_438 = tpu.vector_load %arg5[%swap3A_437] {strides = array<i32>} : memref<3200xf32, #tpu.memory_space<vmem>>, vector<16xf32>,
      %swap3A_439 = vector.shape_cast %swap3A_438 : vector<16xf32> to vector<16xf32>
      %swap3A_440 = vector.shape_cast %get3A_432 : vector<16xf32> to vector<16xf32>
      tpu.vector_store %arg5[%swap3A_437], %swap3A_440 {strides = array<i32>} : memref<3200xf32, #tpu.memory_space<vmem>>, vector<16xf32>,
      %add3A_441 = arith.constant 64 : i32
      %add3A_442 = arith.addi %add3A_388, %add3A_441 : i32
      %get3A_443 = arith.index_cast %add3A_442 : i32 to index
      %get3A_444 = tpu.vector_load %arg4[%get3A_443] {strides = array<i32>} : memref<4800xf32, #tpu.memory_space<vmem>>, vector<16xf32>,
      %get3A_445 = vector.shape_cast %get3A_444 : vector<16xf32> to vector<16xf32>
      %mul3A_446 = arith.constant 400 : i32
      %mul3A_447 = arith.muli %add3A_382, %mul3A_446 : i32
      %add3A_448 = arith.constant 64 : i32
      %add3A_449 = arith.addi %mul3A_447, %add3A_448 : i32
      %swap3A_450 = arith.index_cast %add3A_449 : i32 to index
      %swap3A_451 = tpu.vector_load %arg5[%swap3A_450] {strides = array<i32>} : memref<3200xf32, #tpu.memory_space<vmem>>, vector<16xf32>,
      %swap3A_452 = vector.shape_cast %swap3A_451 : vector<16xf32> to vector<16xf32>
      %swap3A_453 = vector.shape_cast %get3A_445 : vector<16xf32> to vector<16xf32>
      tpu.vector_store %arg5[%swap3A_450], %swap3A_453 {strides = array<i32>} : memref<3200xf32, #tpu.memory_space<vmem>>, vector<16xf32>,
      %add3A_454 = arith.constant 80 : i32
      %add3A_455 = arith.addi %add3A_388, %add3A_454 : i32
      %get3A_456 = arith.index_cast %add3A_455 : i32 to index
      %get3A_457 = tpu.vector_load %arg4[%get3A_456] {strides = array<i32>} : memref<4800xf32, #tpu.memory_space<vmem>>, vector<16xf32>,
      %get3A_458 = vector.shape_cast %get3A_457 : vector<16xf32> to vector<16xf32>
      %mul3A_459 = arith.constant 400 : i32
      %mul3A_460 = arith.muli %add3A_382, %mul3A_459 : i32
      %add3A_461 = arith.constant 80 : i32
      %add3A_462 = arith.addi %mul3A_460, %add3A_461 : i32
      %swap3A_463 = arith.index_cast %add3A_462 : i32 to index
      %swap3A_464 = tpu.vector_load %arg5[%swap3A_463] {strides = array<i32>} : memref<3200xf32, #tpu.memory_space<vmem>>, vector<16xf32>,
      %swap3A_465 = vector.shape_cast %swap3A_464 : vector<16xf32> to vector<16xf32>
      %swap3A_466 = vector.shape_cast %get3A_458 : vector<16xf32> to vector<16xf32>
      tpu.vector_store %arg5[%swap3A_463], %swap3A_466 {strides = array<i32>} : memref<3200xf32, #tpu.memory_space<vmem>>, vector<16xf32>,
      %add3A_467 = arith.constant 96 : i32
      %add3A_468 = arith.addi %add3A_388, %add3A_467 : i32
      %get3A_469 = arith.index_cast %add3A_468 : i32 to index
      %get3A_470 = tpu.vector_load %arg4[%get3A_469] {strides = array<i32>} : memref<4800xf32, #tpu.memory_space<vmem>>, vector<16xf32>,
      %get3A_471 = vector.shape_cast %get3A_470 : vector<16xf32> to vector<16xf32>
      %mul3A_472 = arith.constant 400 : i32
      %mul3A_473 = arith.muli %add3A_382, %mul3A_472 : i32
      %add3A_474 = arith.constant 96 : i32
      %add3A_475 = arith.addi %mul3A_473, %add3A_474 : i32
      %swap3A_476 = arith.index_cast %add3A_475 : i32 to index
      %swap3A_477 = tpu.vector_load %arg5[%swap3A_476] {strides = array<i32>} : memref<3200xf32, #tpu.memory_space<vmem>>, vector<16xf32>,
      %swap3A_478 = vector.shape_cast %swap3A_477 : vector<16xf32> to vector<16xf32>
      %swap3A_479 = vector.shape_cast %get3A_471 : vector<16xf32> to vector<16xf32>
      tpu.vector_store %arg5[%swap3A_476], %swap3A_479 {strides = array<i32>} : memref<3200xf32, #tpu.memory_space<vmem>>, vector<16xf32>,
      %add3A_480 = arith.constant 112 : i32
      %add3A_481 = arith.addi %add3A_388, %add3A_480 : i32
      %get3A_482 = arith.index_cast %add3A_481 : i32 to index
      %get3A_483 = tpu.vector_load %arg4[%get3A_482] {strides = array<i32>} : memref<4800xf32, #tpu.memory_space<vmem>>, vector<16xf32>,
      %get3A_484 = vector.shape_cast %get3A_483 : vector<16xf32> to vector<16xf32>
      %mul3A_485 = arith.constant 400 : i32
      %mul3A_486 = arith.muli %add3A_382, %mul3A_485 : i32
      %add3A_487 = arith.constant 112 : i32
      %add3A_488 = arith.addi %mul3A_486, %add3A_487 : i32
      %swap3A_489 = arith.index_cast %add3A_488 : i32 to index
      %swap3A_490 = tpu.vector_load %arg5[%swap3A_489] {strides = array<i32>} : memref<3200xf32, #tpu.memory_space<vmem>>, vector<16xf32>,
      %swap3A_491 = vector.shape_cast %swap3A_490 : vector<16xf32> to vector<16xf32>
      %swap3A_492 = vector.shape_cast %get3A_484 : vector<16xf32> to vector<16xf32>
      tpu.vector_store %arg5[%swap3A_489], %swap3A_492 {strides = array<i32>} : memref<3200xf32, #tpu.memory_space<vmem>>, vector<16xf32>,
      %add3A_493 = arith.constant 128 : i32
      %add3A_494 = arith.addi %add3A_388, %add3A_493 : i32
      %get3A_495 = arith.index_cast %add3A_494 : i32 to index
      %get3A_496 = tpu.vector_load %arg4[%get3A_495] {strides = array<i32>} : memref<4800xf32, #tpu.memory_space<vmem>>, vector<16xf32>,
      %get3A_497 = vector.shape_cast %get3A_496 : vector<16xf32> to vector<16xf32>
      %mul3A_498 = arith.constant 400 : i32
      %mul3A_499 = arith.muli %add3A_382, %mul3A_498 : i32
      %add3A_500 = arith.constant 128 : i32
      %add3A_501 = arith.addi %mul3A_499, %add3A_500 : i32
      %swap3A_502 = arith.index_cast %add3A_501 : i32 to index
      %swap3A_503 = tpu.vector_load %arg5[%swap3A_502] {strides = array<i32>} : memref<3200xf32, #tpu.memory_space<vmem>>, vector<16xf32>,
      %swap3A_504 = vector.shape_cast %swap3A_503 : vector<16xf32> to vector<16xf32>
      %swap3A_505 = vector.shape_cast %get3A_497 : vector<16xf32> to vector<16xf32>
      tpu.vector_store %arg5[%swap3A_502], %swap3A_505 {strides = array<i32>} : memref<3200xf32, #tpu.memory_space<vmem>>, vector<16xf32>,
      %add3A_506 = arith.constant 144 : i32
      %add3A_507 = arith.addi %add3A_388, %add3A_506 : i32
      %get3A_508 = arith.index_cast %add3A_507 : i32 to index
      %get3A_509 = tpu.vector_load %arg4[%get3A_508] {strides = array<i32>} : memref<4800xf32, #tpu.memory_space<vmem>>, vector<16xf32>,
      %get3A_510 = vector.shape_cast %get3A_509 : vector<16xf32> to vector<16xf32>
      %mul3A_511 = arith.constant 400 : i32
      %mul3A_512 = arith.muli %add3A_382, %mul3A_511 : i32
      %add3A_513 = arith.constant 144 : i32
      %add3A_514 = arith.addi %mul3A_512, %add3A_513 : i32
      %swap3A_515 = arith.index_cast %add3A_514 : i32 to index
      %swap3A_516 = tpu.vector_load %arg5[%swap3A_515] {strides = array<i32>} : memref<3200xf32, #tpu.memory_space<vmem>>, vector<16xf32>,
      %swap3A_517 = vector.shape_cast %swap3A_516 : vector<16xf32> to vector<16xf32>
      %swap3A_518 = vector.shape_cast %get3A_510 : vector<16xf32> to vector<16xf32>
      tpu.vector_store %arg5[%swap3A_515], %swap3A_518 {strides = array<i32>} : memref<3200xf32, #tpu.memory_space<vmem>>, vector<16xf32>,
      %add3A_519 = arith.constant 160 : i32
      %add3A_520 = arith.addi %add3A_388, %add3A_519 : i32
      %get3A_521 = arith.index_cast %add3A_520 : i32 to index
      %get3A_522 = tpu.vector_load %arg4[%get3A_521] {strides = array<i32>} : memref<4800xf32, #tpu.memory_space<vmem>>, vector<16xf32>,
      %get3A_523 = vector.shape_cast %get3A_522 : vector<16xf32> to vector<16xf32>
      %mul3A_524 = arith.constant 400 : i32
      %mul3A_525 = arith.muli %add3A_382, %mul3A_524 : i32
      %add3A_526 = arith.constant 160 : i32
      %add3A_527 = arith.addi %mul3A_525, %add3A_526 : i32
      %swap3A_528 = arith.index_cast %add3A_527 : i32 to index
      %swap3A_529 = tpu.vector_load %arg5[%swap3A_528] {strides = array<i32>} : memref<3200xf32, #tpu.memory_space<vmem>>, vector<16xf32>,
      %swap3A_530 = vector.shape_cast %swap3A_529 : vector<16xf32> to vector<16xf32>
      %swap3A_531 = vector.shape_cast %get3A_523 : vector<16xf32> to vector<16xf32>
      tpu.vector_store %arg5[%swap3A_528], %swap3A_531 {strides = array<i32>} : memref<3200xf32, #tpu.memory_space<vmem>>, vector<16xf32>,
      %add3A_532 = arith.constant 176 : i32
      %add3A_533 = arith.addi %add3A_388, %add3A_532 : i32
      %get3A_534 = arith.index_cast %add3A_533 : i32 to index
      %get3A_535 = tpu.vector_load %arg4[%get3A_534] {strides = array<i32>} : memref<4800xf32, #tpu.memory_space<vmem>>, vector<16xf32>,
      %get3A_536 = vector.shape_cast %get3A_535 : vector<16xf32> to vector<16xf32>
      %mul3A_537 = arith.constant 400 : i32
      %mul3A_538 = arith.muli %add3A_382, %mul3A_537 : i32
      %add3A_539 = arith.constant 176 : i32
      %add3A_540 = arith.addi %mul3A_538, %add3A_539 : i32
      %swap3A_541 = arith.index_cast %add3A_540 : i32 to index
      %swap3A_542 = tpu.vector_load %arg5[%swap3A_541] {strides = array<i32>} : memref<3200xf32, #tpu.memory_space<vmem>>, vector<16xf32>,
      %swap3A_543 = vector.shape_cast %swap3A_542 : vector<16xf32> to vector<16xf32>
      %swap3A_544 = vector.shape_cast %get3A_536 : vector<16xf32> to vector<16xf32>
      tpu.vector_store %arg5[%swap3A_541], %swap3A_544 {strides = array<i32>} : memref<3200xf32, #tpu.memory_space<vmem>>, vector<16xf32>,
      %add3A_545 = arith.constant 192 : i32
      %add3A_546 = arith.addi %add3A_388, %add3A_545 : i32
      %get3A_547 = arith.index_cast %add3A_546 : i32 to index
      %get3A_548 = tpu.vector_load %arg4[%get3A_547] {strides = array<i32>} : memref<4800xf32, #tpu.memory_space<vmem>>, vector<16xf32>,
      %get3A_549 = vector.shape_cast %get3A_548 : vector<16xf32> to vector<16xf32>
      %mul3A_550 = arith.constant 400 : i32
      %mul3A_551 = arith.muli %add3A_382, %mul3A_550 : i32
      %add3A_552 = arith.constant 192 : i32
      %add3A_553 = arith.addi %mul3A_551, %add3A_552 : i32
      %swap3A_554 = arith.index_cast %add3A_553 : i32 to index
      %swap3A_555 = tpu.vector_load %arg5[%swap3A_554] {strides = array<i32>} : memref<3200xf32, #tpu.memory_space<vmem>>, vector<16xf32>,
      %swap3A_556 = vector.shape_cast %swap3A_555 : vector<16xf32> to vector<16xf32>
      %swap3A_557 = vector.shape_cast %get3A_549 : vector<16xf32> to vector<16xf32>
      tpu.vector_store %arg5[%swap3A_554], %swap3A_557 {strides = array<i32>} : memref<3200xf32, #tpu.memory_space<vmem>>, vector<16xf32>,
      %add3A_558 = arith.constant 208 : i32
      %add3A_559 = arith.addi %add3A_388, %add3A_558 : i32
      %get3A_560 = arith.index_cast %add3A_559 : i32 to index
      %get3A_561 = tpu.vector_load %arg4[%get3A_560] {strides = array<i32>} : memref<4800xf32, #tpu.memory_space<vmem>>, vector<16xf32>,
      %get3A_562 = vector.shape_cast %get3A_561 : vector<16xf32> to vector<16xf32>
      %mul3A_563 = arith.constant 400 : i32
      %mul3A_564 = arith.muli %add3A_382, %mul3A_563 : i32
      %add3A_565 = arith.constant 208 : i32
      %add3A_566 = arith.addi %mul3A_564, %add3A_565 : i32
      %swap3A_567 = arith.index_cast %add3A_566 : i32 to index
      %swap3A_568 = tpu.vector_load %arg5[%swap3A_567] {strides = array<i32>} : memref<3200xf32, #tpu.memory_space<vmem>>, vector<16xf32>,
      %swap3A_569 = vector.shape_cast %swap3A_568 : vector<16xf32> to vector<16xf32>
      %swap3A_570 = vector.shape_cast %get3A_562 : vector<16xf32> to vector<16xf32>
      tpu.vector_store %arg5[%swap3A_567], %swap3A_570 {strides = array<i32>} : memref<3200xf32, #tpu.memory_space<vmem>>, vector<16xf32>,
      %add3A_571 = arith.constant 224 : i32
      %add3A_572 = arith.addi %add3A_388, %add3A_571 : i32
      %get3A_573 = arith.index_cast %add3A_572 : i32 to index
      %get3A_574 = tpu.vector_load %arg4[%get3A_573] {strides = array<i32>} : memref<4800xf32, #tpu.memory_space<vmem>>, vector<16xf32>,
      %get3A_575 = vector.shape_cast %get3A_574 : vector<16xf32> to vector<16xf32>
      %mul3A_576 = arith.constant 400 : i32
      %mul3A_577 = arith.muli %add3A_382, %mul3A_576 : i32
      %add3A_578 = arith.constant 224 : i32
      %add3A_579 = arith.addi %mul3A_577, %add3A_578 : i32
      %swap3A_580 = arith.index_cast %add3A_579 : i32 to index
      %swap3A_581 = tpu.vector_load %arg5[%swap3A_580] {strides = array<i32>} : memref<3200xf32, #tpu.memory_space<vmem>>, vector<16xf32>,
      %swap3A_582 = vector.shape_cast %swap3A_581 : vector<16xf32> to vector<16xf32>
      %swap3A_583 = vector.shape_cast %get3A_575 : vector<16xf32> to vector<16xf32>
      tpu.vector_store %arg5[%swap3A_580], %swap3A_583 {strides = array<i32>} : memref<3200xf32, #tpu.memory_space<vmem>>, vector<16xf32>,
      %add3A_584 = arith.constant 240 : i32
      %add3A_585 = arith.addi %add3A_388, %add3A_584 : i32
      %get3A_586 = arith.index_cast %add3A_585 : i32 to index
      %get3A_587 = tpu.vector_load %arg4[%get3A_586] {strides = array<i32>} : memref<4800xf32, #tpu.memory_space<vmem>>, vector<16xf32>,
      %get3A_588 = vector.shape_cast %get3A_587 : vector<16xf32> to vector<16xf32>
      %mul3A_589 = arith.constant 400 : i32
      %mul3A_590 = arith.muli %add3A_382, %mul3A_589 : i32
      %add3A_591 = arith.constant 240 : i32
      %add3A_592 = arith.addi %mul3A_590, %add3A_591 : i32
      %swap3A_593 = arith.index_cast %add3A_592 : i32 to index
      %swap3A_594 = tpu.vector_load %arg5[%swap3A_593] {strides = array<i32>} : memref<3200xf32, #tpu.memory_space<vmem>>, vector<16xf32>,
      %swap3A_595 = vector.shape_cast %swap3A_594 : vector<16xf32> to vector<16xf32>
      %swap3A_596 = vector.shape_cast %get3A_588 : vector<16xf32> to vector<16xf32>
      tpu.vector_store %arg5[%swap3A_593], %swap3A_596 {strides = array<i32>} : memref<3200xf32, #tpu.memory_space<vmem>>, vector<16xf32>,
      %add3A_597 = arith.constant 256 : i32
      %add3A_598 = arith.addi %add3A_388, %add3A_597 : i32
      %get3A_599 = arith.index_cast %add3A_598 : i32 to index
      %get3A_600 = tpu.vector_load %arg4[%get3A_599] {strides = array<i32>} : memref<4800xf32, #tpu.memory_space<vmem>>, vector<16xf32>,
      %get3A_601 = vector.shape_cast %get3A_600 : vector<16xf32> to vector<16xf32>
      %mul3A_602 = arith.constant 400 : i32
      %mul3A_603 = arith.muli %add3A_382, %mul3A_602 : i32
      %add3A_604 = arith.constant 256 : i32
      %add3A_605 = arith.addi %mul3A_603, %add3A_604 : i32
      %swap3A_606 = arith.index_cast %add3A_605 : i32 to index
      %swap3A_607 = tpu.vector_load %arg5[%swap3A_606] {strides = array<i32>} : memref<3200xf32, #tpu.memory_space<vmem>>, vector<16xf32>,
      %swap3A_608 = vector.shape_cast %swap3A_607 : vector<16xf32> to vector<16xf32>
      %swap3A_609 = vector.shape_cast %get3A_601 : vector<16xf32> to vector<16xf32>
      tpu.vector_store %arg5[%swap3A_606], %swap3A_609 {strides = array<i32>} : memref<3200xf32, #tpu.memory_space<vmem>>, vector<16xf32>,
      %add3A_610 = arith.constant 272 : i32
      %add3A_611 = arith.addi %add3A_388, %add3A_610 : i32
      %get3A_612 = arith.index_cast %add3A_611 : i32 to index
      %get3A_613 = tpu.vector_load %arg4[%get3A_612] {strides = array<i32>} : memref<4800xf32, #tpu.memory_space<vmem>>, vector<16xf32>,
      %get3A_614 = vector.shape_cast %get3A_613 : vector<16xf32> to vector<16xf32>
      %mul3A_615 = arith.constant 400 : i32
      %mul3A_616 = arith.muli %add3A_382, %mul3A_615 : i32
      %add3A_617 = arith.constant 272 : i32
      %add3A_618 = arith.addi %mul3A_616, %add3A_617 : i32
      %swap3A_619 = arith.index_cast %add3A_618 : i32 to index
      %swap3A_620 = tpu.vector_load %arg5[%swap3A_619] {strides = array<i32>} : memref<3200xf32, #tpu.memory_space<vmem>>, vector<16xf32>,
      %swap3A_621 = vector.shape_cast %swap3A_620 : vector<16xf32> to vector<16xf32>
      %swap3A_622 = vector.shape_cast %get3A_614 : vector<16xf32> to vector<16xf32>
      tpu.vector_store %arg5[%swap3A_619], %swap3A_622 {strides = array<i32>} : memref<3200xf32, #tpu.memory_space<vmem>>, vector<16xf32>,
      %add3A_623 = arith.constant 288 : i32
      %add3A_624 = arith.addi %add3A_388, %add3A_623 : i32
      %get3A_625 = arith.index_cast %add3A_624 : i32 to index
      %get3A_626 = tpu.vector_load %arg4[%get3A_625] {strides = array<i32>} : memref<4800xf32, #tpu.memory_space<vmem>>, vector<16xf32>,
      %get3A_627 = vector.shape_cast %get3A_626 : vector<16xf32> to vector<16xf32>
      %mul3A_628 = arith.constant 400 : i32
      %mul3A_629 = arith.muli %add3A_382, %mul3A_628 : i32
      %add3A_630 = arith.constant 288 : i32
      %add3A_631 = arith.addi %mul3A_629, %add3A_630 : i32
      %swap3A_632 = arith.index_cast %add3A_631 : i32 to index
      %swap3A_633 = tpu.vector_load %arg5[%swap3A_632] {strides = array<i32>} : memref<3200xf32, #tpu.memory_space<vmem>>, vector<16xf32>,
      %swap3A_634 = vector.shape_cast %swap3A_633 : vector<16xf32> to vector<16xf32>
      %swap3A_635 = vector.shape_cast %get3A_627 : vector<16xf32> to vector<16xf32>
      tpu.vector_store %arg5[%swap3A_632], %swap3A_635 {strides = array<i32>} : memref<3200xf32, #tpu.memory_space<vmem>>, vector<16xf32>,
      %add3A_636 = arith.constant 304 : i32
      %add3A_637 = arith.addi %add3A_388, %add3A_636 : i32
      %get3A_638 = arith.index_cast %add3A_637 : i32 to index
      %get3A_639 = tpu.vector_load %arg4[%get3A_638] {strides = array<i32>} : memref<4800xf32, #tpu.memory_space<vmem>>, vector<16xf32>,
      %get3A_640 = vector.shape_cast %get3A_639 : vector<16xf32> to vector<16xf32>
      %mul3A_641 = arith.constant 400 : i32
      %mul3A_642 = arith.muli %add3A_382, %mul3A_641 : i32
      %add3A_643 = arith.constant 304 : i32
      %add3A_644 = arith.addi %mul3A_642, %add3A_643 : i32
      %swap3A_645 = arith.index_cast %add3A_644 : i32 to index
      %swap3A_646 = tpu.vector_load %arg5[%swap3A_645] {strides = array<i32>} : memref<3200xf32, #tpu.memory_space<vmem>>, vector<16xf32>,
      %swap3A_647 = vector.shape_cast %swap3A_646 : vector<16xf32> to vector<16xf32>
      %swap3A_648 = vector.shape_cast %get3A_640 : vector<16xf32> to vector<16xf32>
      tpu.vector_store %arg5[%swap3A_645], %swap3A_648 {strides = array<i32>} : memref<3200xf32, #tpu.memory_space<vmem>>, vector<16xf32>,
      %add3A_649 = arith.constant 320 : i32
      %add3A_650 = arith.addi %add3A_388, %add3A_649 : i32
      %get3A_651 = arith.index_cast %add3A_650 : i32 to index
      %get3A_652 = tpu.vector_load %arg4[%get3A_651] {strides = array<i32>} : memref<4800xf32, #tpu.memory_space<vmem>>, vector<16xf32>,
      %get3A_653 = vector.shape_cast %get3A_652 : vector<16xf32> to vector<16xf32>
      %mul3A_654 = arith.constant 400 : i32
      %mul3A_655 = arith.muli %add3A_382, %mul3A_654 : i32
      %add3A_656 = arith.constant 320 : i32
      %add3A_657 = arith.addi %mul3A_655, %add3A_656 : i32
      %swap3A_658 = arith.index_cast %add3A_657 : i32 to index
      %swap3A_659 = tpu.vector_load %arg5[%swap3A_658] {strides = array<i32>} : memref<3200xf32, #tpu.memory_space<vmem>>, vector<16xf32>,
      %swap3A_660 = vector.shape_cast %swap3A_659 : vector<16xf32> to vector<16xf32>
      %swap3A_661 = vector.shape_cast %get3A_653 : vector<16xf32> to vector<16xf32>
      tpu.vector_store %arg5[%swap3A_658], %swap3A_661 {strides = array<i32>} : memref<3200xf32, #tpu.memory_space<vmem>>, vector<16xf32>,
      %add3A_662 = arith.constant 336 : i32
      %add3A_663 = arith.addi %add3A_388, %add3A_662 : i32
      %get3A_664 = arith.index_cast %add3A_663 : i32 to index
      %get3A_665 = tpu.vector_load %arg4[%get3A_664] {strides = array<i32>} : memref<4800xf32, #tpu.memory_space<vmem>>, vector<16xf32>,
      %get3A_666 = vector.shape_cast %get3A_665 : vector<16xf32> to vector<16xf32>
      %mul3A_667 = arith.constant 400 : i32
      %mul3A_668 = arith.muli %add3A_382, %mul3A_667 : i32
      %add3A_669 = arith.constant 336 : i32
      %add3A_670 = arith.addi %mul3A_668, %add3A_669 : i32
      %swap3A_671 = arith.index_cast %add3A_670 : i32 to index
      %swap3A_672 = tpu.vector_load %arg5[%swap3A_671] {strides = array<i32>} : memref<3200xf32, #tpu.memory_space<vmem>>, vector<16xf32>,
      %swap3A_673 = vector.shape_cast %swap3A_672 : vector<16xf32> to vector<16xf32>
      %swap3A_674 = vector.shape_cast %get3A_666 : vector<16xf32> to vector<16xf32>
      tpu.vector_store %arg5[%swap3A_671], %swap3A_674 {strides = array<i32>} : memref<3200xf32, #tpu.memory_space<vmem>>, vector<16xf32>,
      %add3A_675 = arith.constant 352 : i32
      %add3A_676 = arith.addi %add3A_388, %add3A_675 : i32
      %get3A_677 = arith.index_cast %add3A_676 : i32 to index
      %get3A_678 = tpu.vector_load %arg4[%get3A_677] {strides = array<i32>} : memref<4800xf32, #tpu.memory_space<vmem>>, vector<16xf32>,
      %get3A_679 = vector.shape_cast %get3A_678 : vector<16xf32> to vector<16xf32>
      %mul3A_680 = arith.constant 400 : i32
      %mul3A_681 = arith.muli %add3A_382, %mul3A_680 : i32
      %add3A_682 = arith.constant 352 : i32
      %add3A_683 = arith.addi %mul3A_681, %add3A_682 : i32
      %swap3A_684 = arith.index_cast %add3A_683 : i32 to index
      %swap3A_685 = tpu.vector_load %arg5[%swap3A_684] {strides = array<i32>} : memref<3200xf32, #tpu.memory_space<vmem>>, vector<16xf32>,
      %swap3A_686 = vector.shape_cast %swap3A_685 : vector<16xf32> to vector<16xf32>
      %swap3A_687 = vector.shape_cast %get3A_679 : vector<16xf32> to vector<16xf32>
      tpu.vector_store %arg5[%swap3A_684], %swap3A_687 {strides = array<i32>} : memref<3200xf32, #tpu.memory_space<vmem>>, vector<16xf32>,
      %add3A_688 = arith.constant 368 : i32
      %add3A_689 = arith.addi %add3A_388, %add3A_688 : i32
      %get3A_690 = arith.index_cast %add3A_689 : i32 to index
      %get3A_691 = tpu.vector_load %arg4[%get3A_690] {strides = array<i32>} : memref<4800xf32, #tpu.memory_space<vmem>>, vector<16xf32>,
      %get3A_692 = vector.shape_cast %get3A_691 : vector<16xf32> to vector<16xf32>
      %mul3A_693 = arith.constant 400 : i32
      %mul3A_694 = arith.muli %add3A_382, %mul3A_693 : i32
      %add3A_695 = arith.constant 368 : i32
      %add3A_696 = arith.addi %mul3A_694, %add3A_695 : i32
      %swap3A_697 = arith.index_cast %add3A_696 : i32 to index
      %swap3A_698 = tpu.vector_load %arg5[%swap3A_697] {strides = array<i32>} : memref<3200xf32, #tpu.memory_space<vmem>>, vector<16xf32>,
      %swap3A_699 = vector.shape_cast %swap3A_698 : vector<16xf32> to vector<16xf32>
      %swap3A_700 = vector.shape_cast %get3A_692 : vector<16xf32> to vector<16xf32>
      tpu.vector_store %arg5[%swap3A_697], %swap3A_700 {strides = array<i32>} : memref<3200xf32, #tpu.memory_space<vmem>>, vector<16xf32>,
      %add3A_701 = arith.constant 384 : i32
      %add3A_702 = arith.addi %add3A_388, %add3A_701 : i32
      %get3A_703 = arith.index_cast %add3A_702 : i32 to index
      %get3A_704 = tpu.vector_load %arg4[%get3A_703] {strides = array<i32>} : memref<4800xf32, #tpu.memory_space<vmem>>, vector<16xf32>,
      %get3A_705 = vector.shape_cast %get3A_704 : vector<16xf32> to vector<16xf32>
      %mul3A_706 = arith.constant 400 : i32
      %mul3A_707 = arith.muli %add3A_382, %mul3A_706 : i32
      %add3A_708 = arith.constant 384 : i32
      %add3A_709 = arith.addi %mul3A_707, %add3A_708 : i32
      %swap3A_710 = arith.index_cast %add3A_709 : i32 to index
      %swap3A_711 = tpu.vector_load %arg5[%swap3A_710] {strides = array<i32>} : memref<3200xf32, #tpu.memory_space<vmem>>, vector<16xf32>,
      %swap3A_712 = vector.shape_cast %swap3A_711 : vector<16xf32> to vector<16xf32>
      %swap3A_713 = vector.shape_cast %get3A_705 : vector<16xf32> to vector<16xf32>
      tpu.vector_store %arg5[%swap3A_710], %swap3A_713 {strides = array<i32>} : memref<3200xf32, #tpu.memory_space<vmem>>, vector<16xf32>,
    }
    %scan3A_371 = arith.constant 8 : i32
    %lt3A = arith.constant 31 : i32
    %lt3A_372 = arith.cmpi slt, %add3A, %lt3A : i32
    %convert_element_type3A = arith.extui %lt3A_372 : i1 to i32
    %cond3A = arith.constant 0 : i32
    %cond3A_373 = arith.cmpi ne, %convert_element_type3A, %cond3A : i32
    scf.if %cond3A_373 {
      %mul3A_378 = arith.constant 400 : i32
      %mul3A_379 = arith.muli %min3A_3, %mul3A_378 : i32
      %dma_start3A_380 = arith.constant 0 : i32
      %dma_start3A_381 = tpu.memref_slice %arg5[%dma_start3A_380] : memref<3200xf32, #tpu.memory_space<vmem>> -> memref<3200xf32, #tpu.memory_space<vmem>>
      %dma_start3A_382 = tpu.memref_slice %arg3[%mul3A_379] : memref<100000xf32, #tpu.memory_space<hbm>> -> memref<3200xf32, #tpu.memory_space<hbm>>
      %dma_start3A_383 = tpu.memref_slice %arg3[%mul3A_379] : memref<100000xf32, #tpu.memory_space<hbm>> -> memref<3200xf32, #tpu.memory_space<hbm>>
      %dma_start3A_384 = arith.constant 0 : i32
      %dma_start3A_385 = tpu.memref_slice %arg5[%dma_start3A_384] : memref<3200xf32, #tpu.memory_space<vmem>> -> memref<3200xf32, #tpu.memory_space<vmem>>
      tpu.enqueue_dma source(%dma_start3A_385 : memref<3200xf32, #tpu.memory_space<vmem>>) target(%dma_start3A_383 : memref<3200xf32, #tpu.memory_space<hbm>>) target_semaphore(%arg6 : memref<!tpu.dma_semaphore, #tpu.memory_space<semaphore_mem>>)
      %dma_wait3A_386 = arith.constant 0 : i32
      %dma_wait3A_387 = tpu.memref_slice %arg5[%dma_wait3A_386] : memref<3200xf32, #tpu.memory_space<vmem>> -> memref<3200xf32, #tpu.memory_space<vmem>>
      %dma_wait3A_388 = tpu.memref_slice %arg3[%mul3A_379] : memref<100000xf32, #tpu.memory_space<hbm>> -> memref<3200xf32, #tpu.memory_space<hbm>>
      %dma_wait3A_389 = tpu.memref_slice %arg3[%mul3A_379] : memref<100000xf32, #tpu.memory_space<hbm>> -> memref<3200xf32, #tpu.memory_space<hbm>>
      %dma_wait3A_390 = arith.constant 0 : i32
      %dma_wait3A_391 = tpu.memref_slice %arg5[%dma_wait3A_390] : memref<3200xf32, #tpu.memory_space<vmem>> -> memref<3200xf32, #tpu.memory_space<vmem>>
      tpu.wait_dma2 semaphore(%arg6 : memref<!tpu.dma_semaphore, #tpu.memory_space<semaphore_mem>>) src(%dma_wait3A_391 : memref<3200xf32, #tpu.memory_space<vmem>>) dst(%dma_wait3A_389 : memref<3200xf32, #tpu.memory_space<hbm>>)
    } else {
    }
    %eq3A = arith.constant 31 : i32
    %eq3A_374 = arith.cmpi eq, %add3A, %eq3A : i32
    %convert_element_type3A_375 = arith.extui %eq3A_374 : i1 to i32
    %cond3A_376 = arith.constant 0 : i32
    %cond3A_377 = arith.cmpi ne, %convert_element_type3A_375, %cond3A_376 : i32
    scf.if %cond3A_377 {
      %dma_start3A_378 = arith.constant 2400 : i32
      %dma_start3A_379 = tpu.memref_slice %arg5[%dma_start3A_378] : memref<3200xf32, #tpu.memory_space<vmem>> -> memref<800xf32, #tpu.memory_space<vmem>>
      %dma_start3A_380 = arith.constant 99200 : i32
      %dma_start3A_381 = tpu.memref_slice %arg3[%dma_start3A_380] : memref<100000xf32, #tpu.memory_space<hbm>> -> memref<800xf32, #tpu.memory_space<hbm>>
      %dma_start3A_382 = arith.constant 99200 : i32
      %dma_start3A_383 = tpu.memref_slice %arg3[%dma_start3A_382] : memref<100000xf32, #tpu.memory_space<hbm>> -> memref<800xf32, #tpu.memory_space<hbm>>
      %dma_start3A_384 = arith.constant 2400 : i32
      %dma_start3A_385 = tpu.memref_slice %arg5[%dma_start3A_384] : memref<3200xf32, #tpu.memory_space<vmem>> -> memref<800xf32, #tpu.memory_space<vmem>>
      tpu.enqueue_dma source(%dma_start3A_385 : memref<800xf32, #tpu.memory_space<vmem>>) target(%dma_start3A_383 : memref<800xf32, #tpu.memory_space<hbm>>) target_semaphore(%arg6 : memref<!tpu.dma_semaphore, #tpu.memory_space<semaphore_mem>>)
      %dma_wait3A_386 = arith.constant 2400 : i32
      %dma_wait3A_387 = tpu.memref_slice %arg5[%dma_wait3A_386] : memref<3200xf32, #tpu.memory_space<vmem>> -> memref<800xf32, #tpu.memory_space<vmem>>
      %dma_wait3A_388 = arith.constant 99200 : i32
      %dma_wait3A_389 = tpu.memref_slice %arg3[%dma_wait3A_388] : memref<100000xf32, #tpu.memory_space<hbm>> -> memref<800xf32, #tpu.memory_space<hbm>>
      %dma_wait3A_390 = arith.constant 99200 : i32
      %dma_wait3A_391 = tpu.memref_slice %arg3[%dma_wait3A_390] : memref<100000xf32, #tpu.memory_space<hbm>> -> memref<800xf32, #tpu.memory_space<hbm>>
      %dma_wait3A_392 = arith.constant 2400 : i32
      %dma_wait3A_393 = tpu.memref_slice %arg5[%dma_wait3A_392] : memref<3200xf32, #tpu.memory_space<vmem>> -> memref<800xf32, #tpu.memory_space<vmem>>
      tpu.wait_dma2 semaphore(%arg6 : memref<!tpu.dma_semaphore, #tpu.memory_space<semaphore_mem>>) src(%dma_wait3A_393 : memref<800xf32, #tpu.memory_space<vmem>>) dst(%dma_wait3A_391 : memref<800xf32, #tpu.memory_space<hbm>>)
    } else {
    }
    return
  }
}

</mosaic_0001>

<sc_bundles>
// kernel: kernel.3.cloned.1.call-start
scs
__scs_entry_jumppad:
0x0: {  	(pc) =	sbr.rel $0x88, $3  }
0x1: {  	(tag) =	ssettag $0x0;
	lr =	simm.s32 $0x1  }
0x2: {  	[smem:$0x3FA0] =	sst lr;
	_ =	strace $0xD0000000  }
0x3: {  	_ = 	snop  }
0x4: {  	_ = 	snop  }
0x5: {  	_ = 	snop  }
0x6: {  	_ = 	snop  }
0x7: {  	_ = 	snop  }
__scs_overlays_trampoline_lowered:
0x8: {  	[smem:$0x3FAF] =	sst s0  }
0x9: {  	[smem:$0x3FB0] =	sst s1  }
0xa: {  	[smem:$0x3FB1] =	sst s2  }
0xb: {  	[smem:$0x3FB2] =	sst s3  }
0xc: {  	[smem:$0x3FB3] =	sst s4  }
0xd: {  	[smem:$0x3FB4] =	sst s5  }
0xe: {  	[smem:$0x3FB5] =	sst s6  }
0xf: {  	[smem:$0x3FB6] =	sst s7  }
0x10: {  	[smem:$0x3FB7] =	sst s8  }
0x11: {  	[smem:$0x3FB8] =	sst s9;
	s0 =	simm.s32 @!p0 $0x0  }
0x12: {  	s1 =	sld [smem:$0x3F9E];
	s0 =	simm.s32 @p0 $0x1  }
0x13: {  	[smem:$0x3FB9] =	sst s0;
	s0 =	simm.s32 @!p1 $0x0  }
0x14: {  	s2 =	sld [smem:$0x3F9D];
	s0 =	simm.s32 @p1 $0x1  }
0x15: {  	[smem:$0x3FBA] =	sst s0;
	s0 =	simm.s32 @!p2 $0x0  }
0x16: {  	s3 =	sld [smem:$0x3FDB];
	s0 =	simm.s32 @p2 $0x1  }
0x17: {  	s4 =	simm.s32 $0x1BF5;
	[smem:$0x3FBC] =	sst s0  }
0x18: {  	s0 =	sld [smem:$0x3F9F];
	_ =	swait.ge [sflag:s4], $0x0  }
0x19: {  	s7 =	sld [smem:$0x3FA0]  }
0x1a: {  	s8 =	sadd.s32 $0xFFFFE003, lr  }
0x1b: {  	s9 =	sadd.s32 $0xFFFFFEF7, lr;
	s5 =	simm.s32 $0xFFFFFFFF;
	p2 =	slt.u32 s8, $0xFFFFF086  }
0x1c: {  	p1 =	slt.u32 s9, $0xF7A;
	s5 =	simm.s32 @!p2 $0x0  }
0x1d: {  	s5 =	simm.s32 @p1 $0x1;
	p0 =	seq.s32 s7, s2  }
0x1e: {  	s7 =	smul.u32 @!p0 $0xF7A, s2;
	p2 =	seq.s32 @!p0 s5, $0x0  }
0x1f: {  	s9 =	smul.u32 $0xF7A, s1;
	s8 =	simm.s32 @!p0 $0x1BF5;
	p2 =	por !p2, p0  }
0x20: {  	[sflag:s8] =	ssyncset.s32 @!p0 $0xFFFFF086;
	s6 =	sadd.s32 @!p0 s3, s7;
	s7 =	simm.s32 @!p0 $0x108  }
0x21: {  	s3 =	sadd.s32 s3, s9;
	s6 =	sadd.s32 @!p0 $0x88, s6;
	s7 =	simm.s32 @p2 $0x1082  }
0x22: {  	[simem:s7], [sflag:s8] =	dma.local @!p0 [hbm:s6], $0xF7A  }
0x23: {  	s9 =	sor.u32 $0xD0000000, s2;
	s6 =	simm.s32 $0x108;
	_ =	swait.ge @!p0 [sflag:s8], $0x0  }
0x24: {  	s3 =	sadd.s32 $0x88, s3;
	s6 =	simm.s32 @!p1 $0x1082;
	[sflag:s4] =	ssyncset.s32 $0xFFFFF086  }
0x25: {  	[simem:s6], [sflag:s4] =	dma.local [hbm:s3], $0xF7A  }
0x26: {  	[smem:$0x3FA0] =	sst s1;
	(tag) =	ssettag s2;
	_ =	strace s9  }
0x27: {  	s1 =	sld [smem:$0x3FB0]  }
0x28: {  	s2 =	sld [smem:$0x3FB1]  }
0x29: {  	s4 =	sld [smem:$0x3FB3]  }
0x2a: {  	p0 =	seq.s32 s5, $0x0;
	s5 =	sld [smem:$0x3FB4]  }
0x2b: {  	s6 =	sld [smem:$0x3FB5]  }
0x2c: {  	s7 =	sld [smem:$0x3FB6]  }
0x2d: {  	s3 =	simm.s32 $0x108;
	s8 =	sld [smem:$0x3FB7]  }
0x2e: {  	s3 =	simm.s32 @!p0 $0x1082;
	s9 =	sld [smem:$0x3FB8]  }
0x2f: {  	lr =	sadd.s32 s0, s3;
	s0 =	sld [smem:$0x3FAF]  }
0x30: {  	s3 =	sld [smem:$0x3FB2]  }
0x31: {  	[smem:$0x3FBB] =	sst s10  }
0x32: {  	s10 =	sld [smem:$0x3FB9];
	_ =	sdelay $0x3  }
0x33: {  	p0 =	seq.s32 s10, $0x1;
	s10 =	sld [smem:$0x3FBB];
	_ =	sdelay $0x3  }
0x34: {  	[smem:$0x3FBB] =	sst s10  }
0x35: {  	s10 =	sld [smem:$0x3FBA];
	_ =	sdelay $0x3  }
0x36: {  	p1 =	seq.s32 s10, $0x1;
	s10 =	sld [smem:$0x3FBB];
	_ =	sdelay $0x3  }
0x37: {  	[smem:$0x3FBB] =	sst s10  }
0x38: {  	s10 =	sld [smem:$0x3FBC]  }
0x39: {  	_ = 	snop;
	(pc) =	sbr.ind lr, $3  }
0x3a: {  	_ = 	snop  }
0x3b: {  	_ = 	snop  }
0x3c: {  	p2 =	seq.s32 s10, $0x1;
	s10 =	sld [smem:$0x3FBB]  }
0x3d: {  	_ =	shalt  }
0x3e: {  	_ =	shalt  }
0x3f: {  	_ =	shalt  }
0x40: {  	_ =	shalt  }
0x41: {  	_ =	shalt  }
0x42: {  	_ =	shalt  }
0x43: {  	_ =	shalt  }
0x44: {  	_ =	shalt  }
0x45: {  	_ =	shalt  }
0x46: {  	_ =	shalt  }
0x47: {  	_ =	shalt  }
0x48: {  	_ =	shalt  }
0x49: {  	_ =	shalt  }
0x4a: {  	_ =	shalt  }
0x4b: {  	_ =	shalt  }
0x4c: {  	_ =	shalt  }
0x4d: {  	_ =	shalt  }
0x4e: {  	_ =	shalt  }
0x4f: {  	_ =	shalt  }
0x50: {  	_ =	shalt  }
0x51: {  	_ =	shalt  }
0x52: {  	_ =	shalt  }
0x53: {  	_ =	shalt  }
0x54: {  	_ =	shalt  }
0x55: {  	_ =	shalt  }
0x56: {  	_ =	shalt  }
0x57: {  	_ =	shalt  }
0x58: {  	_ =	shalt  }
0x59: {  	_ =	shalt  }
0x5a: {  	_ =	shalt  }
0x5b: {  	_ =	shalt  }
0x5c: {  	_ =	shalt  }
0x5d: {  	_ =	shalt  }
0x5e: {  	_ =	shalt  }
0x5f: {  	_ =	shalt  }
0x60: {  	_ =	shalt  }
0x61: {  	_ =	shalt  }
0x62: {  	_ =	shalt  }
0x63: {  	_ =	shalt  }
0x64: {  	_ =	shalt  }
0x65: {  	_ =	shalt  }
0x66: {  	_ =	shalt  }
0x67: {  	_ =	shalt  }
0x68: {  	_ =	shalt  }
0x69: {  	_ =	shalt  }
0x6a: {  	_ =	shalt  }
0x6b: {  	_ =	shalt  }
0x6c: {  	_ =	shalt  }
0x6d: {  	_ =	shalt  }
0x6e: {  	_ =	shalt  }
0x6f: {  	_ =	shalt  }
0x70: {  	_ =	shalt  }
0x71: {  	_ =	shalt  }
0x72: {  	_ =	shalt  }
0x73: {  	_ =	shalt  }
0x74: {  	_ =	shalt  }
0x75: {  	_ =	shalt  }
0x76: {  	_ =	shalt  }
0x77: {  	_ =	shalt  }
0x78: {  	_ =	shalt  }
0x79: {  	_ =	shalt  }
0x7a: {  	_ =	shalt  }
0x7b: {  	_ =	shalt  }
0x7c: {  	_ =	shalt  }
0x7d: {  	_ =	shalt  }
0x7e: {  	_ =	shalt  }
0x7f: {  	_ =	shalt  }
0x80: {  	_ =	shalt  }
0x81: {  	_ =	shalt  }
0x82: {  	_ =	shalt  }
0x83: {  	_ =	shalt  }
0x84: {  	_ =	shalt  }
0x85: {  	_ =	shalt  }
0x86: {  	_ =	shalt  }
0x87: {  	_ =	shalt  }
.Lfunc_end0:
.L_simem_size_0:
called_computation_lowered:
.L_overlay_start_0:
0x88: {  	s2 =	sld [smem:$0x3FD9]  }
0x89: {  	s3 =	sld [smem:$0x3FFE];
	_ =	sdelay $0x1  }
0x8a: {  	s1 =	srdreg.scid  }
0x8b: {  	s0 =	sand.u32 $0x1, s1  }
0x8c: {  	s18 =	sshll.u32 s0, $0xA;
	s2 =	sadd.s32 s3, s2  }
0x8d: {  	s2 =	sadd.s32 s2, s18  }
0x8e: {  	[smem:$0x3FC7] =	sst s2  }
0x8f: {  	_ = 	snop  }
0x90: {  	s2 =	sld [smem:$0x3FC9]  }
0x91: {  	s19 =	sld [smem:$0x3FD0];
	(tm) =	ssettm $0x1  }
0x92: {  	s4 =	sld [smem:$0x3FFB];
	_ =	sdelay $0x3  }
0x93: {  	_ =	strace s4  }
0x94: {  	s4 =	sld [smem:$0x3FFC];
	_ =	sdelay $0x3  }
0x95: {  	_ =	strace s4  }
0x96: {  	s4 =	sld [smem:$0x3FFD];
	_ =	sdelay $0x3  }
0x97: {  	_ =	strace s4  }
0x98: {  	_ =	strace $0x8FFFFFFF  }
0x99: {  	s20 =	sld [smem:$0x3FDB];
	_ =	sdelay $0x1  }
0x9a: {  	s5 =	simm.s32 $_scs_section_size  }
0x9b: {  	s6 =	simm.s32 $_size__tile_overlayer_lowered;
	s7 =	simm.s32 $_tile_overlayer_lowered  }
0x9c: {  	s23 =	simm.s32 $0x1BFF;
	s22 =	sshll.u32 s7, $0x1;
	s4 =	sadd.s32 s5, s20  }
0x9d: {  	s8 =	simm.s32 $0x0;
	s21 =	sshll.u32 s6, $0x1;
	s6 =	sadd.s32 s22, s4  }
0x9e: {  	[timem:s8], [sflag:s23] =	dma.local [hbm:s6], s21  }
0x9f: {  	_ =	swait.ge [sflag:s23], s21  }
0xa0: {  	s5 =	ssub.s32 $0x0, s21;
	[sflag:s23] =	ssyncset.done $0x0  }
0xa1: {  	[sflag:s23] =	ssyncadd.s32 s5;
	_ =	sdelay $0x1  }
0xa2: {  	s24 =	simm.s32 $0x1B8B  }
0xa3: {  	_ =	swait.ge [sflag:s24], $0x1  }
0xa4: {  	[sflag:s24] =	ssyncset.done $0x0  }
0xa5: {  	s25 =	simm.s32 $0x1B8E;
	[sflag:s24] =	ssyncadd.s32 $0xFFFFFFFF  }
0xa6: {  	s26 =	simm.s32 $execute0_lowered;
	[smem:$0x3FD2] =	sst s25  }
0xa7: {  	s5 =	sshll.u32 s26, $0x1;
	_ =	strace $0x80000046;
	[dreg:$0x1] =	wrdreg $0xFFFFFFFF  }
0xa8: {  	s28 =	simm.s32 $_size_execute0_lowered;
	s4 =	sadd.s32 s4, s5;
	[dreg:$0x0] =	wrdreg $0x0  }
0xa9: {  	s5 =	sshll.u32 s28, $0x1;
	[dreg:$0x2] =	wrdreg s4  }
0xaa: {  	[dreg:$0x3] =	wrdreg s5  }
0xab: {  	[dreg:$0x4] =	wrdreg $0xC0  }
0xac: {  	_ =	task [dreg:s8], $0x5FFFF  }
0xad: {  	[dreg:$0x1] =	wrdreg $0xFFFFFFFF  }
0xae: {  	[dreg:$0x0] =	wrdreg $0x60  }
0xaf: {  	[dreg:$0x2] =	wrdreg s2  }
0xb0: {  	[dreg:$0x3] =	wrdreg s19  }
0xb1: {  	[dreg:$0x4] =	wrdreg $0x9  }
0xb2: {  	_ =	task.clear_ibuf [dreg:s8], $0x5FFFF;
	_ =	strace $0x90000046  }
0xb3: {  	s29 =	simm.s32 $0x9;
	_ =	strace $0x80000048  }
0xb4: {  	_ =	swait.ge [sflag:s29], $0x1  }
0xb5: {  	[sflag:s29] =	ssyncadd.s32 $0xFFFFFFFF  }
0xb6: {  	_ =	strace $0x90000048  }
0xb7: {  	_ =	sfence  }
0xb8: {  	s30 =	sld [smem:$0x0];
	_ =	sdelay $0x2  }
0xb9: {  	s31 =	sshll.u32 s1, $0xD;
	s1 =	sshrl.u32 s1, $0x2  }
0xba: {  	s3 =	sand.u32 $0x4000, s31;
	s1 =	sadd.s32 s1, s30  }
0xbb: {  	s0 =	sor.u32 s3, s0;
	s1 =	sshll.u32 s1, $0x11  }
0xbc: {  	s0 =	sor.u32 s1, s0  }
0xbd: {  	s0 =	sadd.s32 $0x8F2B, s0  }
0xbe: {  	[sflag:s0] =	ssyncadd.remote.s32 $0x1  }
0xbf: {  	_ =	sfence.sel $0xFFFF  }
0xc0: {  	[dreg:$0x0] =	wrdreg $0xFFFFFFFF;
	(pc) =	sbr.abs _section_cstart, $3  }
0xc1: {  	[dreg:$0x1] =	wrdreg $0xFFFFFFFF  }
0xc2: {  	_ =	task.clear_ibuf [dreg:s8], $0x2FFFF;
	_ =	strace $0x9FFFFFFF  }
0xc3: {  	(tm) =	ssettm $0x7FFFFFFF  }
tec
execute0_lowered:
.L_overlay_start_1:
0x0: {  	(tag) =	ssettag $0x1  }
0x1: {  	s0 =	srdreg.scid  }
0x2: {  	s2 =	sand.u32 $0x1, s0;
	s0 =	stileid.u32  }
0x3: {  	s5 =	sshll.u32 s2, $0x7;
	s6 =	sshll.u32 s0, $0x3  }
0x4: {  	s5 =	sor.u32 s6, s5  }
0x5: {  	s1 =	sshll.u32 s2, $0x4;
	s5 =	smin.u32 s5, $0xF2  }
0x6: {  	s3 =	rddreg [dreg:$0x0];
	s10 =	sor.u32 s0, s1;
	s26 =	smax.u32 s5, $0x1  }
0x7: {  	s1 =	sshll.u32 s10, $0x3;
	s11 =	smul.u32 $0x640, s5;
	s12 =	smin.u32 s26, $0xF1  }
0x8: {  	s7 =	rddreg [dreg:$0x1];
	s4 =	smin.u32 s1, $0xF2;
	s28 =	smul.u32 $0x640, s12  }
0x9: {  	s25 =	ssub.s32 $0x2, s2;
	s1 =	smax.u32 s4, $0x1;
	s4 =	smul.u32 $0x32, s4  }
0xa: {  	s2 =	simm.s32 $0x0;
	s13 =	smul.u32 $0x190, s5;
	s29 =	ssub.s32 s11, s28  }
0xb: {  	s5 =	sadd.s32 $0x3070, s7;
	s4 =	sadd.s32 s7, s4;
	s7 =	sadd.s32 $0x1280, s29  }
0xc: {  	s9 =	sshrl.u32 s25, $0x1;
	[smem:$0x7FF] =	sst s2;
	s31 =	sshra.s32 s7, $0x2  }
0xd: {  	p0 =	seq.s32 s10, $0x1F;
	s8 =	smin.u32 s1, $0xF1;
	s12 =	smul.u32 $0x190, s12;
	v0 =	vmov s31  }
0xe: {  	s10 =	simm.s32 $0x0;
	s1 =	rddreg [dreg:$0x2];
	s24 =	smul.u32 $0x32, s8  }
0xf: {  	_ =	strace $0x80000047;
	s8 =	ssub.s32 s25, s9;
	s9 =	simm.s32 $0x1  }
0x10: {  	s6 =	smax.u32 s8, $0x1;
	s30 =	ssub.s32 s13, s12;
	s3 =	sadd.s32 s3, s24  }
0x11: {  	s8 =	simm.s32 $0x190;
	s3 =	sadd.s32 $0xFFFFFFCE, s3;
	s7 =	sadd.s32 $0x190, s30  }
.LBB2_1:
0x12: {  	[tilespmem:s8], [sflag:$0x1] =	stream.linear.gather [hbm4b:s3+s2], $0xFA0, $0x38;
	[tilespmem:$0x1F80] =	vst v63  }
0x13: {  	_ =	swait.ge [sflag:s9], $0xFA0  }
0x14: {  	[sflag:s9] =	ssyncset.done $0x0  }
0x15: {  	[sflag:s9] =	ssyncadd.s32 $0xFFFFF060  }
0x16: {  	v1 =	vld [tilespmem:$0x190]  }
0x17: {  	v2 =	vld [tilespmem:$0xFA0]  }
0x18: {  	v3 =	vld [tilespmem:$0x1A0]  }
0x19: {  	v4 =	vld [tilespmem:$0xFB0]  }
0x1a: {  	v5 =	vld [tilespmem:$0x1B0]  }
0x1b: {  	v46 =	vld [tilespmem:$0x1D0];
	[tilespmem:$0x0] =	vst v1  }
0x1c: {  	v47 =	vld [tilespmem:$0xFE0];
	[tilespmem:$0x1130] =	vst v2  }
0x1d: {  	v1 =	vld [tilespmem:$0xFC0];
	[tilespmem:$0x10] =	vst v3  }
0x1e: {  	v2 =	vld [tilespmem:$0x1C0];
	[tilespmem:$0x1140] =	vst v4  }
0x1f: {  	v3 =	vld [tilespmem:$0xFD0];
	[tilespmem:$0x20] =	vst v5  }
0x20: {  	v48 =	vld [tilespmem:$0x1000];
	[tilespmem:$0x40] =	vst v46  }
0x21: {  	v49 =	vld [tilespmem:$0x200];
	[tilespmem:$0x1170] =	vst v47  }
0x22: {  	[tilespmem:$0x1150] =	vst v1;
	v1 =	vld [tilespmem:$0x1E0]  }
0x23: {  	[tilespmem:$0x30] =	vst v2;
	v2 =	vld [tilespmem:$0xFF0]  }
0x24: {  	[tilespmem:$0x1160] =	vst v3;
	v3 =	vld [tilespmem:$0x1F0]  }
0x25: {  	v50 =	vld [tilespmem:$0x220];
	[tilespmem:$0x1190] =	vst v48  }
0x26: {  	v51 =	vld [tilespmem:$0x1030];
	[tilespmem:$0x70] =	vst v49  }
0x27: {  	[tilespmem:$0x50] =	vst v1;
	v1 =	vld [tilespmem:$0x1010]  }
0x28: {  	[tilespmem:$0x1180] =	vst v2;
	v2 =	vld [tilespmem:$0x210]  }
0x29: {  	[tilespmem:$0x60] =	vst v3;
	v3 =	vld [tilespmem:$0x1020]  }
0x2a: {  	v52 =	vld [tilespmem:$0x1050];
	[tilespmem:$0x90] =	vst v50  }
0x2b: {  	v53 =	vld [tilespmem:$0x250];
	[tilespmem:$0x11C0] =	vst v51  }
0x2c: {  	[tilespmem:$0x11A0] =	vst v1;
	v1 =	vld [tilespmem:$0x230]  }
0x2d: {  	[tilespmem:$0x80] =	vst v2;
	v2 =	vld [tilespmem:$0x1040]  }
0x2e: {  	[tilespmem:$0x11B0] =	vst v3;
	v3 =	vld [tilespmem:$0x240]  }
0x2f: {  	v54 =	vld [tilespmem:$0x270];
	[tilespmem:$0x11E0] =	vst v52  }
0x30: {  	v55 =	vld [tilespmem:$0x1080];
	[tilespmem:$0xC0] =	vst v53  }
0x31: {  	[tilespmem:$0xA0] =	vst v1;
	v1 =	vld [tilespmem:$0x1060]  }
0x32: {  	[tilespmem:$0x11D0] =	vst v2;
	v2 =	vld [tilespmem:$0x260]  }
0x33: {  	[tilespmem:$0xB0] =	vst v3;
	v3 =	vld [tilespmem:$0x1070]  }
0x34: {  	v56 =	vld [tilespmem:$0x10A0];
	[tilespmem:$0xE0] =	vst v54  }
0x35: {  	v57 =	vld [tilespmem:$0x2A0];
	[tilespmem:$0x1210] =	vst v55  }
0x36: {  	[tilespmem:$0x11F0] =	vst v1;
	v1 =	vld [tilespmem:$0x280]  }
0x37: {  	[tilespmem:$0xD0] =	vst v2;
	v2 =	vld [tilespmem:$0x1090]  }
0x38: {  	[tilespmem:$0x1200] =	vst v3;
	v3 =	vld [tilespmem:$0x290]  }
0x39: {  	v58 =	vld [tilespmem:$0x2C0];
	[tilespmem:$0x1230] =	vst v56  }
0x3a: {  	v59 =	vld [tilespmem:$0x10D0];
	[tilespmem:$0x110] =	vst v57  }
0x3b: {  	[tilespmem:$0xF0] =	vst v1;
	v1 =	vld [tilespmem:$0x10B0]  }
0x3c: {  	[tilespmem:$0x1220] =	vst v2;
	v2 =	vld [tilespmem:$0x2B0]  }
0x3d: {  	[tilespmem:$0x100] =	vst v3;
	v3 =	vld [tilespmem:$0x10C0]  }
0x3e: {  	v60 =	vld [tilespmem:$0x10F0];
	[tilespmem:$0x130] =	vst v58  }
0x3f: {  	v61 =	vld [tilespmem:$0x2F0];
	[tilespmem:$0x1260] =	vst v59  }
0x40: {  	[tilespmem:$0x1240] =	vst v1;
	v1 =	vld [tilespmem:$0x2D0]  }
0x41: {  	[tilespmem:$0x120] =	vst v2;
	v2 =	vld [tilespmem:$0x10E0]  }
0x42: {  	[tilespmem:$0x1250] =	vst v3;
	v3 =	vld [tilespmem:$0x2E0]  }
0x43: {  	v62 =	vld [tilespmem:$0x310];
	[tilespmem:$0x1280] =	vst v60  }
0x44: {  	v63 =	vld [tilespmem:$0x1120];
	[tilespmem:$0x160] =	vst v61  }
0x45: {  	[tilespmem:$0x140] =	vst v1;
	v1 =	vld [tilespmem:$0x1100]  }
0x46: {  	[tilespmem:$0x1270] =	vst v2;
	v2 =	vld [tilespmem:$0x300]  }
0x47: {  	[tilespmem:$0x150] =	vst v3;
	v3 =	vld [tilespmem:$0x1110]  }
0x48: {  	[tilespmem:$0x180] =	vst v62  }
0x49: {  	[tilespmem:$0x12B0] =	vst v63  }
0x4a: {  	[tilespmem:$0x1290] =	vst v1  }
0x4b: {  	[tilespmem:$0x170] =	vst v2  }
0x4c: {  	s11 =	simm.s32 $0x0;
	[tilespmem:$0x12A0] =	vst v3  }
0x4d: {  	v1 =	vld.idx.msk [tilespmem:v0+s11+$0xFFFFFE80 ss:$0x1], $0xffff;
	_ =	sdelay $0x4  }
0x4e: {  	[tilespmem:s11+$0x1300] =	vst v1  }
0x4f: {  	v1 =	vld.idx.msk [tilespmem:v0+s11+$0xFFFFFE90 ss:$0x1], $0xffff;
	_ =	sdelay $0x4  }
0x50: {  	[tilespmem:s11+$0x1310] =	vst v1  }
0x51: {  	v1 =	vld.idx.msk [tilespmem:v0+s11+$0xFFFFFEA0 ss:$0x1], $0xffff;
	_ =	sdelay $0x4  }
0x52: {  	[tilespmem:s11+$0x1320] =	vst v1  }
0x53: {  	v1 =	vld.idx.msk [tilespmem:v0+s11+$0xFFFFFEB0 ss:$0x1], $0xffff;
	_ =	sdelay $0x4  }
0x54: {  	[tilespmem:s11+$0x1330] =	vst v1  }
0x55: {  	v1 =	vld.idx.msk [tilespmem:v0+s11+$0xFFFFFEC0 ss:$0x1], $0xffff;
	_ =	sdelay $0x4  }
0x56: {  	[tilespmem:s11+$0x1340] =	vst v1  }
0x57: {  	v1 =	vld.idx.msk [tilespmem:v0+s11+$0xFFFFFED0 ss:$0x1], $0xffff;
	_ =	sdelay $0x4  }
0x58: {  	[tilespmem:s11+$0x1350] =	vst v1  }
0x59: {  	v1 =	vld.idx.msk [tilespmem:v0+s11+$0xFFFFFEE0 ss:$0x1], $0xffff;
	_ =	sdelay $0x3  }
0x5a: {  	s12 =	sadd.s32 $0x0, s7  }
0x5b: {  	s12 =	sand.u32 $0xFFFFFFF0, s12;
	[tilespmem:s11+$0x1360] =	vst v1  }
0x5c: {  	v1 =	vld [tilespmem:s12+$0x200];
	_ =	sdelay $0x4  }
0x5d: {  	[tilespmem:s11+$0x1370] =	vst v1  }
0x5e: {  	v1 =	vld.idx.msk [tilespmem:v0+s11+$0xFFFFFF00 ss:$0x1], $0xffff  }
0x5f: {  	s13 =	simm.s32 $0x0  }
0x60: {  	s13 =	sand.u32 $0xFFFFFE00, s13  }
0x61: {  	s13 =	sadd.s32 $0x0, s13  }
0x62: {  	s13 =	sshra.s32 s13, $0x2  }
0x63: {  	[tilespmem:s13+$0x1380] =	vst v1  }
0x64: {  	v1 =	vld.idx.msk [tilespmem:v0+s11+$0xFFFFFF10 ss:$0x1], $0xffff;
	_ =	sdelay $0x4  }
0x65: {  	[tilespmem:s11+$0x1390] =	vst v1  }
0x66: {  	v1 =	vld.idx.msk [tilespmem:v0+s11+$0xFFFFFF20 ss:$0x1], $0xffff;
	_ =	sdelay $0x4  }
0x67: {  	[tilespmem:s11+$0x13A0] =	vst v1  }
0x68: {  	v1 =	vld.idx.msk [tilespmem:v0+s11+$0xFFFFFF30 ss:$0x1], $0xffff;
	_ =	sdelay $0x4  }
0x69: {  	[tilespmem:s11+$0x13B0] =	vst v1  }
0x6a: {  	v1 =	vld.idx.msk [tilespmem:v0+s11+$0xFFFFFF40 ss:$0x1], $0xffff;
	_ =	sdelay $0x4  }
0x6b: {  	[tilespmem:s11+$0x13C0] =	vst v1  }
0x6c: {  	v1 =	vld.idx.msk [tilespmem:v0+s11+$0xFFFFFF50 ss:$0x1], $0xffff;
	_ =	sdelay $0x4  }
0x6d: {  	[tilespmem:s11+$0x13D0] =	vst v1  }
0x6e: {  	v1 =	vld.idx.msk [tilespmem:v0+s11+$0xFFFFFF60 ss:$0x1], $0xffff;
	_ =	sdelay $0x4  }
0x6f: {  	[tilespmem:s11+$0x13E0] =	vst v1  }
0x70: {  	v1 =	vld [tilespmem:s12+$0x280];
	_ =	sdelay $0x4  }
0x71: {  	[tilespmem:s11+$0x13F0] =	vst v1  }
0x72: {  	v1 =	vld.idx.msk [tilespmem:v0+s11+$0xFFFFFF80 ss:$0x1], $0xffff;
	_ =	sdelay $0x4  }
0x73: {  	[tilespmem:s13+$0x1400] =	vst v1  }
0x74: {  	v1 =	vld.idx.msk [tilespmem:v0+s11+$0xFFFFFF90 ss:$0x1], $0xffff;
	_ =	sdelay $0x4  }
0x75: {  	[tilespmem:s11+$0x1410] =	vst v1  }
0x76: {  	v1 =	vld.idx.msk [tilespmem:v0+s11+$0xFFFFFFA0 ss:$0x1], $0xffff;
	_ =	sdelay $0x4  }
0x77: {  	[tilespmem:s11+$0x1420] =	vst v1  }
0x78: {  	v1 =	vld.idx.msk [tilespmem:v0+s11+$0xFFFFFFB0 ss:$0x1], $0xffff;
	_ =	sdelay $0x4  }
0x79: {  	[tilespmem:s11+$0x1430] =	vst v1  }
0x7a: {  	v1 =	vld.idx.msk [tilespmem:v0+s11+$0xFFFFFFC0 ss:$0x1], $0xffff;
	_ =	sdelay $0x4  }
0x7b: {  	[tilespmem:s11+$0x1440] =	vst v1  }
0x7c: {  	v1 =	vld.idx.msk [tilespmem:v0+s11+$0xFFFFFFD0 ss:$0x1], $0xffff;
	_ =	sdelay $0x4  }
0x7d: {  	[tilespmem:s11+$0x1450] =	vst v1  }
0x7e: {  	v1 =	vld.idx.msk [tilespmem:v0+s11+$0xFFFFFFE0 ss:$0x1], $0xffff;
	_ =	sdelay $0x4  }
0x7f: {  	[tilespmem:s11+$0x1460] =	vst v1  }
0x80: {  	v1 =	vld [tilespmem:s12+$0x300];
	_ =	sdelay $0x4  }
0x81: {  	[tilespmem:s11+$0x1470] =	vst v1  }
0x82: {  	v1 =	vld.idx.msk [tilespmem:v0+s11+$0x0 ss:$0x1], $0xffff;
	_ =	sdelay $0x3  }
0x83: {  	s14 =	simm.s32 $0x640;
	s15 =	simm.s32 $0x320  }
0x84: {  	s12 =	simm.s32 $0x190;
	s11 =	simm.s32 $0x190;
	[tilespmem:s13+$0x1480] =	vst v1;
	s13 =	simm.s32 $0x0  }
.LBB2_2:
0x85: {  	p1 =	sne.s32 s15, $0xAF0;
	v1 =	vld.idx.msk [tilespmem:v0+s11+$0xFFFFFE80 ss:$0x1], $0xffff;
	_ =	sdelay $0x5  }
0x86: {  	[tilespmem:s11+$0x1300] =	vst v1  }
0x87: {  	v1 =	vld.idx.msk [tilespmem:v0+s11+$0xFFFFFE90 ss:$0x1], $0xffff;
	_ =	sdelay $0x5  }
0x88: {  	[tilespmem:s11+$0x1310] =	vst v1  }
0x89: {  	v1 =	vld.idx.msk [tilespmem:v0+s11+$0xFFFFFEA0 ss:$0x1], $0xffff;
	_ =	sdelay $0x5  }
0x8a: {  	[tilespmem:s11+$0x1320] =	vst v1  }
0x8b: {  	v1 =	vld.idx.msk [tilespmem:v0+s11+$0xFFFFFEB0 ss:$0x1], $0xffff;
	_ =	sdelay $0x5  }
0x8c: {  	[tilespmem:s11+$0x1330] =	vst v1  }
0x8d: {  	v1 =	vld.idx.msk [tilespmem:v0+s11+$0xFFFFFEC0 ss:$0x1], $0xffff;
	_ =	sdelay $0x5  }
0x8e: {  	[tilespmem:s11+$0x1340] =	vst v1  }
0x8f: {  	v1 =	vld.idx.msk [tilespmem:v0+s11+$0xFFFFFED0 ss:$0x1], $0xffff;
	_ =	sdelay $0x5  }
0x90: {  	[tilespmem:s11+$0x1350] =	vst v1  }
0x91: {  	v1 =	vld.idx.msk [tilespmem:v0+s11+$0xFFFFFEE0 ss:$0x1], $0xffff;
	_ =	sdelay $0x4  }
0x92: {  	s16 =	sadd.s32 s12, s7  }
0x93: {  	s16 =	sand.u32 $0xFFFFFFF0, s16;
	[tilespmem:s11+$0x1360] =	vst v1  }
0x94: {  	v1 =	vld [tilespmem:s16+$0x200];
	_ =	sdelay $0x4  }
0x95: {  	[tilespmem:s11+$0x1370] =	vst v1  }
0x96: {  	v1 =	vld.idx.msk [tilespmem:v0+s11+$0xFFFFFF00 ss:$0x1], $0xffff;
	_ =	sdelay $0x1  }
0x97: {  	s17 =	sshll.u32 s12, $0x2;
	s12 =	smov.u32 s15  }
0x98: {  	s13 =	sadd.s32 $0x40, s13;
	s17 =	sand.u32 $0xFFFFFE00, s17  }
0x99: {  	s17 =	sadd.s32 s17, s13  }
0x9a: {  	s17 =	sshra.s32 s17, $0x2  }
0x9b: {  	[tilespmem:s17+$0x1380] =	vst v1  }
0x9c: {  	v1 =	vld.idx.msk [tilespmem:v0+s11+$0xFFFFFF10 ss:$0x1], $0xffff;
	_ =	sdelay $0x5  }
0x9d: {  	[tilespmem:s11+$0x1390] =	vst v1  }
0x9e: {  	v1 =	vld.idx.msk [tilespmem:v0+s11+$0xFFFFFF20 ss:$0x1], $0xffff;
	_ =	sdelay $0x5  }
0x9f: {  	[tilespmem:s11+$0x13A0] =	vst v1  }
0xa0: {  	v1 =	vld.idx.msk [tilespmem:v0+s11+$0xFFFFFF30 ss:$0x1], $0xffff;
	_ =	sdelay $0x5  }
0xa1: {  	[tilespmem:s11+$0x13B0] =	vst v1  }
0xa2: {  	v1 =	vld.idx.msk [tilespmem:v0+s11+$0xFFFFFF40 ss:$0x1], $0xffff;
	_ =	sdelay $0x5  }
0xa3: {  	[tilespmem:s11+$0x13C0] =	vst v1  }
0xa4: {  	v1 =	vld.idx.msk [tilespmem:v0+s11+$0xFFFFFF50 ss:$0x1], $0xffff;
	_ =	sdelay $0x5  }
0xa5: {  	[tilespmem:s11+$0x13D0] =	vst v1  }
0xa6: {  	v1 =	vld.idx.msk [tilespmem:v0+s11+$0xFFFFFF60 ss:$0x1], $0xffff;
	_ =	sdelay $0x5  }
0xa7: {  	[tilespmem:s11+$0x13E0] =	vst v1  }
0xa8: {  	v1 =	vld [tilespmem:s16+$0x280];
	_ =	sdelay $0x4  }
0xa9: {  	[tilespmem:s11+$0x13F0] =	vst v1  }
0xaa: {  	v1 =	vld.idx.msk [tilespmem:v0+s11+$0xFFFFFF80 ss:$0x1], $0xffff;
	_ =	sdelay $0x5  }
0xab: {  	[tilespmem:s17+$0x1400] =	vst v1  }
0xac: {  	v1 =	vld.idx.msk [tilespmem:v0+s11+$0xFFFFFF90 ss:$0x1], $0xffff;
	_ =	sdelay $0x5  }
0xad: {  	[tilespmem:s11+$0x1410] =	vst v1  }
0xae: {  	v1 =	vld.idx.msk [tilespmem:v0+s11+$0xFFFFFFA0 ss:$0x1], $0xffff;
	_ =	sdelay $0x5  }
0xaf: {  	[tilespmem:s11+$0x1420] =	vst v1  }
0xb0: {  	v1 =	vld.idx.msk [tilespmem:v0+s11+$0xFFFFFFB0 ss:$0x1], $0xffff;
	_ =	sdelay $0x5  }
0xb1: {  	[tilespmem:s11+$0x1430] =	vst v1  }
0xb2: {  	v1 =	vld.idx.msk [tilespmem:v0+s11+$0xFFFFFFC0 ss:$0x1], $0xffff;
	_ =	sdelay $0x5  }
0xb3: {  	[tilespmem:s11+$0x1440] =	vst v1  }
0xb4: {  	v1 =	vld.idx.msk [tilespmem:v0+s11+$0xFFFFFFD0 ss:$0x1], $0xffff;
	_ =	sdelay $0x5  }
0xb5: {  	[tilespmem:s11+$0x1450] =	vst v1  }
0xb6: {  	v1 =	vld.idx.msk [tilespmem:v0+s11+$0xFFFFFFE0 ss:$0x1], $0xffff;
	_ =	sdelay $0x5  }
0xb7: {  	[tilespmem:s11+$0x1460] =	vst v1  }
0xb8: {  	v1 =	vld [tilespmem:s16+$0x300];
	_ =	sdelay $0x4  }
0xb9: {  	[tilespmem:s11+$0x1470] =	vst v1  }
0xba: {  	v1 =	vld.idx.msk [tilespmem:v0+s11+$0x0 ss:$0x1], $0xffff;
	_ =	sdelay $0x1  }
.Ltmp0:
0xbb: {  	(pc) =	sbr.rel @p1 .LBB2_2-.Ltmp0, $3  }
0xbc: {  	_ =	sdelay $0x1  }
0xbd: {  	s14 =	sadd.s32 $0x640, s14  }
0xbe: {  	s15 =	sadd.s32 $0x190, s15;
	s11 =	sshra.s32 s14, $0x2;
	[tilespmem:s17+$0x1480] =	vst v1  }
0xbf: {  	_ =	sdelay $0x3  }
0xc0: {  	v1 =	vld.idx.msk [tilespmem:v0+s11+$0xFFFFFE80 ss:$0x1], $0xffff;
	_ =	sdelay $0x4  }
0xc1: {  	[tilespmem:s11+$0x1300] =	vst v1  }
0xc2: {  	v1 =	vld.idx.msk [tilespmem:v0+s11+$0xFFFFFE90 ss:$0x1], $0xffff;
	_ =	sdelay $0x4  }
0xc3: {  	[tilespmem:s11+$0x1310] =	vst v1  }
0xc4: {  	v1 =	vld.idx.msk [tilespmem:v0+s11+$0xFFFFFEA0 ss:$0x1], $0xffff;
	_ =	sdelay $0x4  }
0xc5: {  	[tilespmem:s11+$0x1320] =	vst v1  }
0xc6: {  	v1 =	vld.idx.msk [tilespmem:v0+s11+$0xFFFFFEB0 ss:$0x1], $0xffff;
	_ =	sdelay $0x4  }
0xc7: {  	[tilespmem:s11+$0x1330] =	vst v1  }
0xc8: {  	v1 =	vld.idx.msk [tilespmem:v0+s11+$0xFFFFFEC0 ss:$0x1], $0xffff;
	_ =	sdelay $0x4  }
0xc9: {  	[tilespmem:s11+$0x1340] =	vst v1  }
0xca: {  	v1 =	vld.idx.msk [tilespmem:v0+s11+$0xFFFFFED0 ss:$0x1], $0xffff;
	_ =	sdelay $0x4  }
0xcb: {  	[tilespmem:s11+$0x1350] =	vst v1  }
0xcc: {  	v1 =	vld.idx.msk [tilespmem:v0+s11+$0xFFFFFEE0 ss:$0x1], $0xffff;
	_ =	sdelay $0x3  }
0xcd: {  	s14 =	sadd.s32 s12, s7  }
0xce: {  	s14 =	sand.u32 $0xFFFFFFF0, s14;
	[tilespmem:s11+$0x1360] =	vst v1  }
0xcf: {  	v1 =	vld [tilespmem:s14+$0x200];
	_ =	sdelay $0x4  }
0xd0: {  	[tilespmem:s11+$0x1370] =	vst v1  }
0xd1: {  	v1 =	vld.idx.msk [tilespmem:v0+s11+$0xFFFFFF00 ss:$0x1], $0xffff  }
0xd2: {  	s31 =	sshll.u32 s12, $0x2  }
0xd3: {  	s13 =	sadd.s32 $0x40, s13;
	s12 =	sand.u32 $0xFFFFFE00, s31  }
0xd4: {  	s12 =	sadd.s32 s12, s13  }
0xd5: {  	s12 =	sshra.s32 s12, $0x2  }
0xd6: {  	[tilespmem:s12+$0x1380] =	vst v1  }
0xd7: {  	v1 =	vld.idx.msk [tilespmem:v0+s11+$0xFFFFFF10 ss:$0x1], $0xffff;
	_ =	sdelay $0x4  }
0xd8: {  	[tilespmem:s11+$0x1390] =	vst v1  }
0xd9: {  	v1 =	vld.idx.msk [tilespmem:v0+s11+$0xFFFFFF20 ss:$0x1], $0xffff;
	_ =	sdelay $0x4  }
0xda: {  	[tilespmem:s11+$0x13A0] =	vst v1  }
0xdb: {  	v1 =	vld.idx.msk [tilespmem:v0+s11+$0xFFFFFF30 ss:$0x1], $0xffff;
	_ =	sdelay $0x4  }
0xdc: {  	[tilespmem:s11+$0x13B0] =	vst v1  }
0xdd: {  	v1 =	vld.idx.msk [tilespmem:v0+s11+$0xFFFFFF40 ss:$0x1], $0xffff;
	_ =	sdelay $0x4  }
0xde: {  	[tilespmem:s11+$0x13C0] =	vst v1  }
0xdf: {  	v1 =	vld.idx.msk [tilespmem:v0+s11+$0xFFFFFF50 ss:$0x1], $0xffff;
	_ =	sdelay $0x4  }
0xe0: {  	[tilespmem:s11+$0x13D0] =	vst v1  }
0xe1: {  	v1 =	vld.idx.msk [tilespmem:v0+s11+$0xFFFFFF60 ss:$0x1], $0xffff;
	_ =	sdelay $0x4  }
0xe2: {  	[tilespmem:s11+$0x13E0] =	vst v1  }
0xe3: {  	v1 =	vld [tilespmem:s14+$0x280];
	_ =	sdelay $0x4  }
0xe4: {  	[tilespmem:s11+$0x13F0] =	vst v1  }
0xe5: {  	v1 =	vld.idx.msk [tilespmem:v0+s11+$0xFFFFFF80 ss:$0x1], $0xffff;
	_ =	sdelay $0x4  }
0xe6: {  	[tilespmem:s12+$0x1400] =	vst v1  }
0xe7: {  	v1 =	vld.idx.msk [tilespmem:v0+s11+$0xFFFFFF90 ss:$0x1], $0xffff;
	_ =	sdelay $0x4  }
0xe8: {  	[tilespmem:s11+$0x1410] =	vst v1  }
0xe9: {  	v1 =	vld.idx.msk [tilespmem:v0+s11+$0xFFFFFFA0 ss:$0x1], $0xffff;
	_ =	sdelay $0x4  }
0xea: {  	[tilespmem:s11+$0x1420] =	vst v1  }
0xeb: {  	v1 =	vld.idx.msk [tilespmem:v0+s11+$0xFFFFFFB0 ss:$0x1], $0xffff;
	_ =	sdelay $0x4  }
0xec: {  	[tilespmem:s11+$0x1430] =	vst v1  }
0xed: {  	v1 =	vld.idx.msk [tilespmem:v0+s11+$0xFFFFFFC0 ss:$0x1], $0xffff;
	_ =	sdelay $0x4  }
0xee: {  	[tilespmem:s11+$0x1440] =	vst v1  }
0xef: {  	v1 =	vld.idx.msk [tilespmem:v0+s11+$0xFFFFFFD0 ss:$0x1], $0xffff;
	_ =	sdelay $0x4  }
0xf0: {  	[tilespmem:s11+$0x1450] =	vst v1  }
0xf1: {  	v1 =	vld.idx.msk [tilespmem:v0+s11+$0xFFFFFFE0 ss:$0x1], $0xffff;
	_ =	sdelay $0x4  }
0xf2: {  	[tilespmem:s11+$0x1460] =	vst v1  }
0xf3: {  	v1 =	vld [tilespmem:s14+$0x300];
	_ =	sdelay $0x4  }
0xf4: {  	[tilespmem:s11+$0x1470] =	vst v1  }
0xf5: {  	v1 =	vld.idx.msk [tilespmem:v0+s11+$0x0 ss:$0x1], $0xffff;
	_ =	sdelay $0x4  }
0xf6: {  	s11 =	simm.s32 @p0 $0x0;
	[tilespmem:s12+$0x1480] =	vst v1;
	s12 =	simm.s32 @p0 $0x1C60  }
0xf7: {  	[hbm4b:s5+s11] =	stream.linear.scatter @p0 [tilespmem:s12], [sflag:$0x1], $0x320, $0x38;
	[tilespmem:$0x1F80] =	vst v63  }
0xf8: {  	s11 =	simm.s32 @p0 $0x1  }
0xf9: {  	s10 =	sadd.s32 $0x1, s10;
	_ =	swait.ge @p0 [sflag:s11], $0x320  }
0xfa: {  	p1 =	sne.s32 s10, s6;
	[sflag:s11] =	ssyncset.done @p0 $0x0  }
0xfb: {  	s12 =	simm.s32 @!p0 $0x1300;
	[sflag:s11] =	ssyncadd.s32 @p0 $0xFFFFFCE0;
	s11 =	simm.s32 @!p0 $0x0  }
0xfc: {  	[hbm4b:s4+s11] =	stream.linear.scatter @!p0 [tilespmem:s12], [sflag:$0x1], $0xC80, $0x38;
	[tilespmem:$0x1F80] =	vst v63  }
.Ltmp1:
0xfd: {  	_ = 	snop;
	(pc) =	sbr.rel @p1 .LBB2_1-.Ltmp1, $4  }
0xfe: {  	s11 =	simm.s32 @!p0 $0x1  }
0xff: {  	_ =	swait.ge @!p0 [sflag:s11], $0xC80  }
0x100: {  	[sflag:s11] =	ssyncset.done @!p0 $0x0  }
0x101: {  	[sflag:s11] =	ssyncadd.s32 @!p0 $0xFFFFF380  }
0x102: {  	_ =	sfence.sel $0x180000  }
0x103: {  	[bflag:$0x0] =	sbarrier.arrive $0xFFFF  }
0x104: {  	p0 =	sne.s32 s0, $0x0;
	_ =	strace $0x90000047  }
0x105: {  	s0 =	sadd.s32 @!p0 $0x100000, s1;
	[bflag:$0x2] =	sbarrier.arrive $0xFFFF  }
0x106: {  	[sflag:s0] =	ssyncadd.tile.s32 @!p0 $0x1;
	_ =	shalt  }
.Lfunc_end2:
_tile_overlayer_lowered:
.L_overlay_start_2:
0x107: {  	(tag) =	ssettag $0x2  }
0x108: {  	s0 =	rddreg [dreg:$0x0];
	s2 =	stileid.u32  }
0x109: {  	s1 =	rddreg [dreg:$0x1];
	p0 =	sne.s32 s2, $0x0  }
0x10a: {  	s3 =	rddreg [dreg:$0x2];
	[bflag:$0x3] =	sbarrier.arrive $0xFFFF;
	s2 =	simm.s32 @!p0 $0x1C02  }
0x10b: {  	[timem:s3], [sflag:s2] =	dma.local @!p0 [hbm:s0], s1  }
0x10c: {  	s0 =	simm.s32 @!p0 $0x2  }
0x10d: {  	_ =	swait.ge @!p0 [sflag:s0], s1  }
0x10e: {  	s1 =	ssub.s32 @!p0 $0x0, s1;
	[sflag:s0] =	ssyncset.done @!p0 $0x0  }
0x10f: {  	[sflag:s0] =	ssyncadd.s32 @!p0 s1  }
0x110: {  	[bflag:$0x3] =	sbarrier.arrive $0xFFFF  }
0x111: {  	_ =	shalt  }

</sc_bundles>
